<compile_context>
chip_gen: v7x
topology: tpu7x:2x2x1
jax: 0.10.2.dev20260603
libtpu: 0.0.44.dev20260713+nightly
codegen_flags: <defaults>
</compile_context>

<pallas_src>
import functools

import jax
import jax.numpy as jnp
from jax import lax
from jax.experimental import pallas as pl
from jax.experimental.pallas import tpu as pltpu
from jax.experimental.pallas import tpu_sc as plsc

VOCAB = 1_000_000
EMBED = 64
WBYTES = 2 * EMBED
CLASSES = 1000
BATCH = 4096
SEQ = 200

NUM_CORES = 2
NUM_SUBCORES = 16
NUM_WORKERS = NUM_CORES * NUM_SUBCORES
BAGS_PER_W = BATCH // NUM_WORKERS
CH0 = 96
CH2 = 8
LANES = 16
COLS = EMBED // LANES

_mesh = plsc.VectorSubcoreMesh(core_axis_name="c", subcore_axis_name="s")
_ILV = plsc.PackFormat.INTERLEAVED


def _wid():
    return lax.axis_index("s") * NUM_CORES + lax.axis_index("c")


@functools.partial(
    pl.kernel,
    mesh=_mesh,
    out_type=jax.ShapeDtypeStruct((BATCH, EMBED), jnp.float32),
    compiler_params=pltpu.CompilerParams(
        needs_layout_passes=False, use_tc_tiling_on_sc=False
    ),
    scratch_types=[
        pltpu.VMEM((BAGS_PER_W * SEQ,), jnp.int32),
        pltpu.VMEM((CH0, EMBED // 2), jnp.int32),
        pltpu.VMEM((CH0, EMBED // 2), jnp.int32),
        pltpu.VMEM((CH2, EMBED // 2), jnp.int32),
        pltpu.VMEM((CH0, EMBED // 2), jnp.int32),
        pltpu.VMEM((CH0, EMBED // 2), jnp.int32),
        pltpu.VMEM((CH2, EMBED // 2), jnp.int32),
        pltpu.VMEM((BAGS_PER_W, EMBED), jnp.float32),
        pltpu.SemaphoreType.DMA,
        pltpu.SemaphoreType.DMA,
    ],
)
def _embed_bag(idx_hbm, lin_hbm, y_hbm, idx_v,
               a0_v, b0_v, c0_v, a1_v, b1_v, c1_v, y_v, sem0, sem1):
    wid = _wid()
    n_idx = BAGS_PER_W * SEQ
    pltpu.sync_copy(
        idx_hbm.at[pl.ds(pl.multiple_of(wid * n_idx, n_idx), n_idx)], idx_v
    )

    sets = ((a0_v, b0_v, c0_v, sem0), (a1_v, b1_v, c1_v, sem1))
    lin32 = lin_hbm

    def chunk_refs(i, s):
        base = pl.multiple_of(i * SEQ, SEQ)
        av, bv, cv, sem = sets[s]
        return (
            (lin32.at[idx_v.at[pl.ds(base, CH0)]], av, sem),
            (lin32.at[idx_v.at[pl.ds(base + CH0, CH0)]], bv, sem),
            (lin32.at[idx_v.at[pl.ds(base + 2 * CH0, CH2)]], cv, sem),
        )

    def fire(i, s):
        for src_ref, dst, sem in chunk_refs(i, s):
            pltpu.async_copy(src_ref, dst, sem)

    def wait(i, s):
        for src_ref, dst, sem in chunk_refs(i, s):
            pltpu.make_async_copy(src_ref, dst, sem).wait()

    def _reduce(rows, nrows, accs):
        def body(q, accs):
            for u in range(2):
                r = 2 * q + u
                lo = plsc.bitcast(rows[r, pl.ds(0, LANES)], jnp.bfloat16)
                hi = plsc.bitcast(rows[r, pl.ds(LANES, LANES)], jnp.bfloat16)
                p0, p1 = plsc.unpack(lo, format=_ILV)
                p2, p3 = plsc.unpack(hi, format=_ILV)
                accs = (accs[0] + p0, accs[1] + p1, accs[2] + p2, accs[3] + p3)
            return accs
        return lax.fori_loop(0, nrows // 2, body, accs)

    def do_bag(i, s):
        wait(i, s)
        av, bv, cv, _ = sets[s]
        z = jnp.zeros((LANES,), jnp.float32)
        accs = _reduce(av, CH0, (z,) * COLS)
        accs = _reduce(bv, CH0, accs)
        accs = _reduce(cv, CH2, accs)
        for k in range(COLS):
            y_v[i, pl.ds(LANES * k, LANES)] = accs[k]

    fire(0, 0)

    def pair(p, carry):
        i0 = 2 * p
        fire(i0 + 1, 1)
        do_bag(i0, 0)

        @pl.when(p < BAGS_PER_W // 2 - 1)
        def _():
            fire(i0 + 2, 0)

        do_bag(i0 + 1, 1)
        return 0

    lax.fori_loop(0, BAGS_PER_W // 2, pair, 0)
    pltpu.sync_copy(
        y_v,
        y_hbm.at[
            pl.ds(pl.multiple_of(wid * BAGS_PER_W, BAGS_PER_W), BAGS_PER_W)
        ],
    )


_CB = 32768
_BR = _CB // 4
_NB = -(-VOCAB // _CB)
_OUTR = _NB * _BR


def _pack_body(tT_ref, o_ref):
    t = tT_ref[...].astype(jnp.bfloat16)
    lo = jax.lax.bitcast_convert_type(t[:32, :], jnp.uint16).astype(jnp.uint32)
    hi = jax.lax.bitcast_convert_type(t[32:, :], jnp.uint16).astype(jnp.uint32)
    p = jax.lax.bitcast_convert_type(lo | (hi << 16), jnp.int32)
    x = jnp.concatenate(
        [p[:, j * _BR:(j + 1) * _BR] for j in range(4)], axis=0
    )
    o_ref[...] = x.T


def _pack(table_t):
    return pl.pallas_call(
        _pack_body,
        grid=(_NB,),
        in_specs=[pl.BlockSpec((EMBED, _CB), lambda b: (0, b))],
        out_specs=pl.BlockSpec((_BR, 2 * EMBED), lambda b: (b, 0)),
        out_shape=jax.ShapeDtypeStruct((_OUTR, 2 * EMBED), jnp.int32),
        compiler_params=pltpu.CompilerParams(
            dimension_semantics=("parallel",),
        ),
    )(table_t)


_BB = 1024


def _dense_body(y_ref, w_ref, b_ref, o_ref):
    o_ref[...] = (
        lax.dot_general(
            y_ref[...], w_ref[...], (((1,), (1,)), ((), ())),
            preferred_element_type=jnp.float32,
        )
        + b_ref[...]
    )


def _dense(y, w, b2):
    return pl.pallas_call(
        _dense_body,
        grid=(BATCH // _BB,),
        in_specs=[
            pl.BlockSpec((_BB, EMBED), lambda i: (i, 0)),
            pl.BlockSpec((CLASSES, EMBED), lambda i: (0, 0)),
            pl.BlockSpec((1, CLASSES), lambda i: (0, 0)),
        ],
        out_specs=pl.BlockSpec((_BB, CLASSES), lambda i: (i, 0)),
        out_shape=jax.ShapeDtypeStruct((BATCH, CLASSES), jnp.float32),
        compiler_params=pltpu.CompilerParams(
            dimension_semantics=("parallel",),
        ),
    )(y, w, b2)


_PERM = (
    list(range(0, 16)) + list(range(32, 48))
    + list(range(16, 32)) + list(range(48, 64))
)


def kernel(input, table, W, b):
    pk = _pack(table.T)
    lin = pk.reshape(4 * _OUTR, EMBED // 2)
    i = input.reshape(BATCH * SEQ)
    c0 = (i // _CB) * _CB
    d = i - c0
    g = c0 + 4 * (d % _BR) + d // _BR
    y = _embed_bag(g, lin)
    w2 = W[:, jnp.array(_PERM, dtype=jnp.int32)]
    return _dense(y, w2, b.reshape(1, CLASSES))

# --- scband reference (transcript-rebuilt; emitter-appended) ---
"""Pipeline reference for scband-cbowclassifier-71468255805783 (READ-ONLY COPY).

The authoritative reference and input builder live on the scoring server;
editing this copy changes nothing except your own understanding.
"""

import jax, jax.numpy as jnp
import numpy as np

VOCAB = 1000000
EMBED = 64
CLASSES = 1000
B = 4096
L = 200

def _xavier_uniform(key, shape):
    fan_in, fan_out = shape[1], shape[0]
    limit = float(np.sqrt(6.0 / (fan_in + fan_out)))
    return jax.random.uniform(key, shape, dtype=jnp.float32, minval=-limit, maxval=limit)

def setup_inputs(seed: int = 0) -> dict:
    key = jax.random.key(seed)
    k1, k2, k3, k4 = jax.random.split(key, 4)
    inp = jax.random.randint(k1, (B, L), 0, VOCAB, dtype=jnp.int32)
    # nn.Embedding weight with xavier_uniform init; padding_idx=0 row zeroed
    table = _xavier_uniform(k2, (VOCAB, EMBED))
    table = table.at[0].set(0.0)
    # nn.Linear(in=EMBED, out=CLASSES) with xavier_uniform weight, default bias init
    W = _xavier_uniform(k3, (CLASSES, EMBED))
    bound = float(1.0 / np.sqrt(EMBED))
    b = jax.random.uniform(k4, (CLASSES,), dtype=jnp.float32, minval=-bound, maxval=bound)
    return {"input": inp, "table": table, "W": W, "b": b}

def reference(input, table, W, b):
    # CBOW: embedding lookup, sum over bag dimension, dropout(p=0)=identity, linear
    emb = jnp.take(table, input, axis=0)          # [B, L, EMBED] gather
    y = emb.sum(axis=1)                            # [B, EMBED]
    out = y @ W.T + b                              # [B, CLASSES]
    return out

if __name__ == "__main__":
    import jax
    _d = setup_inputs()
    print(jax.jit(kernel)(*tuple(_d.values())))

</pallas_src>

<mosaic_0001>
#map = affine_map<(d0, d1) -> (0)>
#map1 = affine_map<(d0, d1) -> (0, 0)>
module attributes {stable_mosaic.version = 14 : i64} {
  func.func @_embed_bag(%arg0: i32, %arg1: i32, %arg2: memref<819200xi32, #tpu.memory_space<hbm>>, %arg3: memref<1015808x32xi32, #tpu.memory_space<hbm>>, %arg4: memref<4096x64xf32, #tpu.memory_space<hbm>>, %arg5: memref<25600xi32, #tpu.memory_space<vmem>>, %arg6: memref<96x32xi32, #tpu.memory_space<vmem>>, %arg7: memref<96x32xi32, #tpu.memory_space<vmem>>, %arg8: memref<8x32xi32, #tpu.memory_space<vmem>>, %arg9: memref<96x32xi32, #tpu.memory_space<vmem>>, %arg10: memref<96x32xi32, #tpu.memory_space<vmem>>, %arg11: memref<8x32xi32, #tpu.memory_space<vmem>>, %arg12: memref<128x64xf32, #tpu.memory_space<vmem>>, %arg13: memref<!tpu.dma_semaphore, #tpu.memory_space<semaphore_mem>>, %arg14: memref<!tpu.dma_semaphore, #tpu.memory_space<semaphore_mem>>) attributes {dimension_semantics = [#tpu.dimension_semantics<core_parallel>, #tpu.dimension_semantics<subcore_parallel>], iteration_bounds = array<i64: 2, 16>, scalar_prefetch = 0 : i64, scratch_operands = 10 : i64, tpu.core_type = #tpu.core_type<sc_vector_subcore>, window_params = [{transform_indices = #map}, {transform_indices = #map1}, {transform_indices = #map1}]} {
    %mul3A = arith.constant 2 : i32
    %mul3A_0 = arith.muli %arg1, %mul3A : i32
    %add3A = arith.addi %mul3A_0, %arg0 : i32
    %mul3A_1 = arith.constant 25600 : i32
    %mul3A_2 = arith.muli %add3A, %mul3A_1 : i32
    %multiple_of3A = tpu.assume_multiple %mul3A_2, 25600 : i32
    "tpu.region"() ({
      %run_scoped3A = tpu.sem_alloc : memref<!tpu.dma_semaphore, #tpu.memory_space<semaphore_mem>>
      %dma_start3A_29 = tpu.memref_slice %arg2[%multiple_of3A] : memref<819200xi32, #tpu.memory_space<hbm>> -> memref<25600xi32, #tpu.memory_space<hbm>>
      %dma_start3A_30 = tpu.memref_slice %arg2[%multiple_of3A] : memref<819200xi32, #tpu.memory_space<hbm>> -> memref<25600xi32, #tpu.memory_space<hbm>>
      tpu.enqueue_dma source(%dma_start3A_30 : memref<25600xi32, #tpu.memory_space<hbm>>) target(%arg5 : memref<25600xi32, #tpu.memory_space<vmem>>) target_semaphore(%run_scoped3A : memref<!tpu.dma_semaphore, #tpu.memory_space<semaphore_mem>>)
      %dma_wait3A = tpu.memref_slice %arg2[%multiple_of3A] : memref<819200xi32, #tpu.memory_space<hbm>> -> memref<25600xi32, #tpu.memory_space<hbm>>
      %dma_wait3A_31 = tpu.memref_slice %arg2[%multiple_of3A] : memref<819200xi32, #tpu.memory_space<hbm>> -> memref<25600xi32, #tpu.memory_space<hbm>>
      tpu.wait_dma2 semaphore(%run_scoped3A : memref<!tpu.dma_semaphore, #tpu.memory_space<semaphore_mem>>) src(%dma_wait3A_31 : memref<25600xi32, #tpu.memory_space<hbm>>) dst(%arg5 : memref<25600xi32, #tpu.memory_space<vmem>>)
      tpu.yield
    }) : () -> ()
    %multiple_of3A_3 = arith.constant 0 : i32
    %multiple_of3A_4 = tpu.assume_multiple %multiple_of3A_3, 200 : i32
    %add3A_5 = arith.constant 96 : i32
    %add3A_6 = arith.addi %multiple_of3A_4, %add3A_5 : i32
    %add3A_7 = arith.constant 192 : i32
    %add3A_8 = arith.addi %multiple_of3A_4, %add3A_7 : i32
    %dma_start3A = tpu.memref_slice %arg5[%multiple_of3A_4] : memref<25600xi32, #tpu.memory_space<vmem>> -> memref<96xi32, #tpu.memory_space<vmem>>
    %dma_start3A_9 = arith.constant 0 : i32
    %dma_start3A_10 = arith.constant 0 : i32
    %dma_start3A_11 = tpu.memref_slice %arg3[%dma_start3A_9, %dma_start3A_10] : memref<1015808x32xi32, #tpu.memory_space<hbm>> -> memref<1015808x32xi32, #tpu.memory_space<hbm>>
    tpu.enqueue_indirect_dma source(%dma_start3A_11 : memref<1015808x32xi32, #tpu.memory_space<hbm>>) target(%arg6 : memref<96x32xi32, #tpu.memory_space<vmem>>) offsets(%dma_start3A : memref<96xi32, #tpu.memory_space<vmem>>) semaphore(%arg13 : memref<!tpu.dma_semaphore, #tpu.memory_space<semaphore_mem>>)
    %dma_start3A_12 = tpu.memref_slice %arg5[%add3A_6] : memref<25600xi32, #tpu.memory_space<vmem>> -> memref<96xi32, #tpu.memory_space<vmem>>
    %dma_start3A_13 = arith.constant 0 : i32
    %dma_start3A_14 = arith.constant 0 : i32
    %dma_start3A_15 = tpu.memref_slice %arg3[%dma_start3A_13, %dma_start3A_14] : memref<1015808x32xi32, #tpu.memory_space<hbm>> -> memref<1015808x32xi32, #tpu.memory_space<hbm>>
    tpu.enqueue_indirect_dma source(%dma_start3A_15 : memref<1015808x32xi32, #tpu.memory_space<hbm>>) target(%arg7 : memref<96x32xi32, #tpu.memory_space<vmem>>) offsets(%dma_start3A_12 : memref<96xi32, #tpu.memory_space<vmem>>) semaphore(%arg13 : memref<!tpu.dma_semaphore, #tpu.memory_space<semaphore_mem>>)
    %dma_start3A_16 = tpu.memref_slice %arg5[%add3A_8] : memref<25600xi32, #tpu.memory_space<vmem>> -> memref<8xi32, #tpu.memory_space<vmem>>
    %dma_start3A_17 = arith.constant 0 : i32
    %dma_start3A_18 = arith.constant 0 : i32
    %dma_start3A_19 = tpu.memref_slice %arg3[%dma_start3A_17, %dma_start3A_18] : memref<1015808x32xi32, #tpu.memory_space<hbm>> -> memref<1015808x32xi32, #tpu.memory_space<hbm>>
    tpu.enqueue_indirect_dma source(%dma_start3A_19 : memref<1015808x32xi32, #tpu.memory_space<hbm>>) target(%arg8 : memref<8x32xi32, #tpu.memory_space<vmem>>) offsets(%dma_start3A_16 : memref<8xi32, #tpu.memory_space<vmem>>) semaphore(%arg13 : memref<!tpu.dma_semaphore, #tpu.memory_space<semaphore_mem>>)
    %scan3A = arith.constant 0 : i32
    %scan3A_20 = arith.constant 0 : i32
    %scan3A_21 = arith.constant 64 : i32
    %scan3A_22 = arith.addi %scan3A_20, %scan3A_21 : i32
    %scan3A_23 = arith.constant 1 : i32
    %scan3A_24 = scf.for %scan3A_29 = %scan3A_20 to %scan3A_22 step %scan3A_23 iter_args(%scan3A_30 = %scan3A) -> (i32)  : i32 {
      %mul3A_31 = arith.constant 2 : i32
      %mul3A_32 = arith.muli %mul3A_31, %scan3A_29 : i32
      %add3A_33 = arith.constant 1 : i32
      %add3A_34 = arith.addi %mul3A_32, %add3A_33 : i32
      %mul3A_35 = arith.constant 200 : i32
      %mul3A_36 = arith.muli %add3A_34, %mul3A_35 : i32
      %multiple_of3A_37 = tpu.assume_multiple %mul3A_36, 200 : i32
      %add3A_38 = arith.constant 96 : i32
      %add3A_39 = arith.addi %multiple_of3A_37, %add3A_38 : i32
      %add3A_40 = arith.constant 192 : i32
      %add3A_41 = arith.addi %multiple_of3A_37, %add3A_40 : i32
      %dma_start3A_42 = tpu.memref_slice %arg5[%multiple_of3A_37] : memref<25600xi32, #tpu.memory_space<vmem>> -> memref<96xi32, #tpu.memory_space<vmem>>
      %dma_start3A_43 = arith.constant 0 : i32
      %dma_start3A_44 = arith.constant 0 : i32
      %dma_start3A_45 = tpu.memref_slice %arg3[%dma_start3A_43, %dma_start3A_44] : memref<1015808x32xi32, #tpu.memory_space<hbm>> -> memref<1015808x32xi32, #tpu.memory_space<hbm>>
      tpu.enqueue_indirect_dma source(%dma_start3A_45 : memref<1015808x32xi32, #tpu.memory_space<hbm>>) target(%arg9 : memref<96x32xi32, #tpu.memory_space<vmem>>) offsets(%dma_start3A_42 : memref<96xi32, #tpu.memory_space<vmem>>) semaphore(%arg14 : memref<!tpu.dma_semaphore, #tpu.memory_space<semaphore_mem>>)
      %dma_start3A_46 = tpu.memref_slice %arg5[%add3A_39] : memref<25600xi32, #tpu.memory_space<vmem>> -> memref<96xi32, #tpu.memory_space<vmem>>
      %dma_start3A_47 = arith.constant 0 : i32
      %dma_start3A_48 = arith.constant 0 : i32
      %dma_start3A_49 = tpu.memref_slice %arg3[%dma_start3A_47, %dma_start3A_48] : memref<1015808x32xi32, #tpu.memory_space<hbm>> -> memref<1015808x32xi32, #tpu.memory_space<hbm>>
      tpu.enqueue_indirect_dma source(%dma_start3A_49 : memref<1015808x32xi32, #tpu.memory_space<hbm>>) target(%arg10 : memref<96x32xi32, #tpu.memory_space<vmem>>) offsets(%dma_start3A_46 : memref<96xi32, #tpu.memory_space<vmem>>) semaphore(%arg14 : memref<!tpu.dma_semaphore, #tpu.memory_space<semaphore_mem>>)
      %dma_start3A_50 = tpu.memref_slice %arg5[%add3A_41] : memref<25600xi32, #tpu.memory_space<vmem>> -> memref<8xi32, #tpu.memory_space<vmem>>
      %dma_start3A_51 = arith.constant 0 : i32
      %dma_start3A_52 = arith.constant 0 : i32
      %dma_start3A_53 = tpu.memref_slice %arg3[%dma_start3A_51, %dma_start3A_52] : memref<1015808x32xi32, #tpu.memory_space<hbm>> -> memref<1015808x32xi32, #tpu.memory_space<hbm>>
      tpu.enqueue_indirect_dma source(%dma_start3A_53 : memref<1015808x32xi32, #tpu.memory_space<hbm>>) target(%arg11 : memref<8x32xi32, #tpu.memory_space<vmem>>) offsets(%dma_start3A_50 : memref<8xi32, #tpu.memory_space<vmem>>) semaphore(%arg14 : memref<!tpu.dma_semaphore, #tpu.memory_space<semaphore_mem>>)
      %mul3A_54 = arith.constant 200 : i32
      %mul3A_55 = arith.muli %mul3A_32, %mul3A_54 : i32
      %multiple_of3A_56 = tpu.assume_multiple %mul3A_55, 200 : i32
      %add3A_57 = arith.constant 96 : i32
      %add3A_58 = arith.addi %multiple_of3A_56, %add3A_57 : i32
      %add3A_59 = arith.constant 192 : i32
      %add3A_60 = arith.addi %multiple_of3A_56, %add3A_59 : i32
      %dma_wait3A = tpu.memref_slice %arg5[%multiple_of3A_56] : memref<25600xi32, #tpu.memory_space<vmem>> -> memref<96xi32, #tpu.memory_space<vmem>>
      %dma_wait3A_61 = arith.constant 0 : i32
      %dma_wait3A_62 = arith.constant 0 : i32
      %dma_wait3A_63 = tpu.memref_slice %arg3[%dma_wait3A_61, %dma_wait3A_62] : memref<1015808x32xi32, #tpu.memory_space<hbm>> -> memref<1015808x32xi32, #tpu.memory_space<hbm>>
      tpu.wait_indirect_dma semaphore(%arg13 : memref<!tpu.dma_semaphore, #tpu.memory_space<semaphore_mem>>) src(%dma_wait3A_63 : memref<1015808x32xi32, #tpu.memory_space<hbm>>) dst(%arg6 : memref<96x32xi32, #tpu.memory_space<vmem>>)
      %dma_wait3A_64 = tpu.memref_slice %arg5[%add3A_58] : memref<25600xi32, #tpu.memory_space<vmem>> -> memref<96xi32, #tpu.memory_space<vmem>>
      %dma_wait3A_65 = arith.constant 0 : i32
      %dma_wait3A_66 = arith.constant 0 : i32
      %dma_wait3A_67 = tpu.memref_slice %arg3[%dma_wait3A_65, %dma_wait3A_66] : memref<1015808x32xi32, #tpu.memory_space<hbm>> -> memref<1015808x32xi32, #tpu.memory_space<hbm>>
      tpu.wait_indirect_dma semaphore(%arg13 : memref<!tpu.dma_semaphore, #tpu.memory_space<semaphore_mem>>) src(%dma_wait3A_67 : memref<1015808x32xi32, #tpu.memory_space<hbm>>) dst(%arg7 : memref<96x32xi32, #tpu.memory_space<vmem>>)
      %dma_wait3A_68 = tpu.memref_slice %arg5[%add3A_60] : memref<25600xi32, #tpu.memory_space<vmem>> -> memref<8xi32, #tpu.memory_space<vmem>>
      %dma_wait3A_69 = arith.constant 0 : i32
      %dma_wait3A_70 = arith.constant 0 : i32
      %dma_wait3A_71 = tpu.memref_slice %arg3[%dma_wait3A_69, %dma_wait3A_70] : memref<1015808x32xi32, #tpu.memory_space<hbm>> -> memref<1015808x32xi32, #tpu.memory_space<hbm>>
      tpu.wait_indirect_dma semaphore(%arg13 : memref<!tpu.dma_semaphore, #tpu.memory_space<semaphore_mem>>) src(%dma_wait3A_71 : memref<1015808x32xi32, #tpu.memory_space<hbm>>) dst(%arg8 : memref<8x32xi32, #tpu.memory_space<vmem>>)
      %broadcast_in_dim3A = arith.constant 0.000000e+00 : f32
      %broadcast_in_dim3A_72 = vector.broadcast %broadcast_in_dim3A : f32 to vector<16xf32>
      %scan3A_73 = arith.constant 0 : i32
      %scan3A_74 = arith.constant 48 : i32
      %scan3A_75 = arith.addi %scan3A_73, %scan3A_74 : i32
      %scan3A_76 = arith.constant 1 : i32
      %scan3A_77:4 = scf.for %scan3A_158 = %scan3A_73 to %scan3A_75 step %scan3A_76 iter_args(%scan3A_159 = %broadcast_in_dim3A_72, %scan3A_160 = %broadcast_in_dim3A_72, %scan3A_161 = %broadcast_in_dim3A_72, %scan3A_162 = %broadcast_in_dim3A_72) -> (vector<16xf32>, vector<16xf32>, vector<16xf32>, vector<16xf32>)  : i32 {
        %mul3A_163 = arith.constant 2 : i32
        %mul3A_164 = arith.muli %mul3A_163, %scan3A_158 : i32
        %add3A_165 = arith.constant 0 : i32
        %add3A_166 = arith.addi %mul3A_164, %add3A_165 : i32
        %get3A = arith.index_cast %add3A_166 : i32 to index
        %get3A_167 = arith.constant 0 : index
        %get3A_168 = tpu.vector_load %arg6[%get3A, %get3A_167] {strides = array<i32>} : memref<96x32xi32, #tpu.memory_space<vmem>>, vector<16xi32>,
        %bitcast3A = vector.bitcast %get3A_168 : vector<16xi32> to vector<32xbf16>
        %get3A_169 = arith.index_cast %add3A_166 : i32 to index
        %get3A_170 = arith.constant 16 : index
        %get3A_171 = tpu.vector_load %arg6[%get3A_169, %get3A_170] {strides = array<i32>} : memref<96x32xi32, #tpu.memory_space<vmem>>, vector<16xi32>,
        %bitcast3A_172 = vector.bitcast %get3A_171 : vector<16xi32> to vector<32xbf16>
        %unpack3A = tpu.unpack_subelements %bitcast3A, 0 {pack_format = #tpu.pack_format<interleaved>} : vector<32xbf16> -> vector<16xf32>
        %unpack3A_173 = tpu.unpack_subelements %bitcast3A, 1 {pack_format = #tpu.pack_format<interleaved>} : vector<32xbf16> -> vector<16xf32>
        %unpack3A_174 = tpu.unpack_subelements %bitcast3A_172, 0 {pack_format = #tpu.pack_format<interleaved>} : vector<32xbf16> -> vector<16xf32>
        %unpack3A_175 = tpu.unpack_subelements %bitcast3A_172, 1 {pack_format = #tpu.pack_format<interleaved>} : vector<32xbf16> -> vector<16xf32>
        %add3A_176 = arith.addf %scan3A_159, %unpack3A : vector<16xf32>
        %add3A_177 = arith.addf %scan3A_160, %unpack3A_173 : vector<16xf32>
        %add3A_178 = arith.addf %scan3A_161, %unpack3A_174 : vector<16xf32>
        %add3A_179 = arith.addf %scan3A_162, %unpack3A_175 : vector<16xf32>
        %mul3A_180 = arith.constant 2 : i32
        %mul3A_181 = arith.muli %mul3A_180, %scan3A_158 : i32
        %add3A_182 = arith.constant 1 : i32
        %add3A_183 = arith.addi %mul3A_181, %add3A_182 : i32
        %get3A_184 = arith.index_cast %add3A_183 : i32 to index
        %get3A_185 = arith.constant 0 : index
        %get3A_186 = tpu.vector_load %arg6[%get3A_184, %get3A_185] {strides = array<i32>} : memref<96x32xi32, #tpu.memory_space<vmem>>, vector<16xi32>,
        %bitcast3A_187 = vector.bitcast %get3A_186 : vector<16xi32> to vector<32xbf16>
        %get3A_188 = arith.index_cast %add3A_183 : i32 to index
        %get3A_189 = arith.constant 16 : index
        %get3A_190 = tpu.vector_load %arg6[%get3A_188, %get3A_189] {strides = array<i32>} : memref<96x32xi32, #tpu.memory_space<vmem>>, vector<16xi32>,
        %bitcast3A_191 = vector.bitcast %get3A_190 : vector<16xi32> to vector<32xbf16>
        %unpack3A_192 = tpu.unpack_subelements %bitcast3A_187, 0 {pack_format = #tpu.pack_format<interleaved>} : vector<32xbf16> -> vector<16xf32>
        %unpack3A_193 = tpu.unpack_subelements %bitcast3A_187, 1 {pack_format = #tpu.pack_format<interleaved>} : vector<32xbf16> -> vector<16xf32>
        %unpack3A_194 = tpu.unpack_subelements %bitcast3A_191, 0 {pack_format = #tpu.pack_format<interleaved>} : vector<32xbf16> -> vector<16xf32>
        %unpack3A_195 = tpu.unpack_subelements %bitcast3A_191, 1 {pack_format = #tpu.pack_format<interleaved>} : vector<32xbf16> -> vector<16xf32>
        %add3A_196 = arith.addf %add3A_176, %unpack3A_192 : vector<16xf32>
        %add3A_197 = arith.addf %add3A_177, %unpack3A_193 : vector<16xf32>
        %add3A_198 = arith.addf %add3A_178, %unpack3A_194 : vector<16xf32>
        %add3A_199 = arith.addf %add3A_179, %unpack3A_195 : vector<16xf32>
        scf.yield %add3A_196, %add3A_197, %add3A_198, %add3A_199 : vector<16xf32>, vector<16xf32>, vector<16xf32>, vector<16xf32>
      }
      %scan3A_78 = arith.constant 48 : i32
      %scan3A_79 = arith.constant 0 : i32
      %scan3A_80 = arith.constant 48 : i32
      %scan3A_81 = arith.addi %scan3A_79, %scan3A_80 : i32
      %scan3A_82 = arith.constant 1 : i32
      %scan3A_83:4 = scf.for %scan3A_158 = %scan3A_79 to %scan3A_81 step %scan3A_82 iter_args(%scan3A_159 = %scan3A_77#0, %scan3A_160 = %scan3A_77#1, %scan3A_161 = %scan3A_77#2, %scan3A_162 = %scan3A_77#3) -> (vector<16xf32>, vector<16xf32>, vector<16xf32>, vector<16xf32>)  : i32 {
        %mul3A_163 = arith.constant 2 : i32
        %mul3A_164 = arith.muli %mul3A_163, %scan3A_158 : i32
        %add3A_165 = arith.constant 0 : i32
        %add3A_166 = arith.addi %mul3A_164, %add3A_165 : i32
        %get3A = arith.index_cast %add3A_166 : i32 to index
        %get3A_167 = arith.constant 0 : index
        %get3A_168 = tpu.vector_load %arg7[%get3A, %get3A_167] {strides = array<i32>} : memref<96x32xi32, #tpu.memory_space<vmem>>, vector<16xi32>,
        %bitcast3A = vector.bitcast %get3A_168 : vector<16xi32> to vector<32xbf16>
        %get3A_169 = arith.index_cast %add3A_166 : i32 to index
        %get3A_170 = arith.constant 16 : index
        %get3A_171 = tpu.vector_load %arg7[%get3A_169, %get3A_170] {strides = array<i32>} : memref<96x32xi32, #tpu.memory_space<vmem>>, vector<16xi32>,
        %bitcast3A_172 = vector.bitcast %get3A_171 : vector<16xi32> to vector<32xbf16>
        %unpack3A = tpu.unpack_subelements %bitcast3A, 0 {pack_format = #tpu.pack_format<interleaved>} : vector<32xbf16> -> vector<16xf32>
        %unpack3A_173 = tpu.unpack_subelements %bitcast3A, 1 {pack_format = #tpu.pack_format<interleaved>} : vector<32xbf16> -> vector<16xf32>
        %unpack3A_174 = tpu.unpack_subelements %bitcast3A_172, 0 {pack_format = #tpu.pack_format<interleaved>} : vector<32xbf16> -> vector<16xf32>
        %unpack3A_175 = tpu.unpack_subelements %bitcast3A_172, 1 {pack_format = #tpu.pack_format<interleaved>} : vector<32xbf16> -> vector<16xf32>
        %add3A_176 = arith.addf %scan3A_159, %unpack3A : vector<16xf32>
        %add3A_177 = arith.addf %scan3A_160, %unpack3A_173 : vector<16xf32>
        %add3A_178 = arith.addf %scan3A_161, %unpack3A_174 : vector<16xf32>
        %add3A_179 = arith.addf %scan3A_162, %unpack3A_175 : vector<16xf32>
        %mul3A_180 = arith.constant 2 : i32
        %mul3A_181 = arith.muli %mul3A_180, %scan3A_158 : i32
        %add3A_182 = arith.constant 1 : i32
        %add3A_183 = arith.addi %mul3A_181, %add3A_182 : i32
        %get3A_184 = arith.index_cast %add3A_183 : i32 to index
        %get3A_185 = arith.constant 0 : index
        %get3A_186 = tpu.vector_load %arg7[%get3A_184, %get3A_185] {strides = array<i32>} : memref<96x32xi32, #tpu.memory_space<vmem>>, vector<16xi32>,
        %bitcast3A_187 = vector.bitcast %get3A_186 : vector<16xi32> to vector<32xbf16>
        %get3A_188 = arith.index_cast %add3A_183 : i32 to index
        %get3A_189 = arith.constant 16 : index
        %get3A_190 = tpu.vector_load %arg7[%get3A_188, %get3A_189] {strides = array<i32>} : memref<96x32xi32, #tpu.memory_space<vmem>>, vector<16xi32>,
        %bitcast3A_191 = vector.bitcast %get3A_190 : vector<16xi32> to vector<32xbf16>
        %unpack3A_192 = tpu.unpack_subelements %bitcast3A_187, 0 {pack_format = #tpu.pack_format<interleaved>} : vector<32xbf16> -> vector<16xf32>
        %unpack3A_193 = tpu.unpack_subelements %bitcast3A_187, 1 {pack_format = #tpu.pack_format<interleaved>} : vector<32xbf16> -> vector<16xf32>
        %unpack3A_194 = tpu.unpack_subelements %bitcast3A_191, 0 {pack_format = #tpu.pack_format<interleaved>} : vector<32xbf16> -> vector<16xf32>
        %unpack3A_195 = tpu.unpack_subelements %bitcast3A_191, 1 {pack_format = #tpu.pack_format<interleaved>} : vector<32xbf16> -> vector<16xf32>
        %add3A_196 = arith.addf %add3A_176, %unpack3A_192 : vector<16xf32>
        %add3A_197 = arith.addf %add3A_177, %unpack3A_193 : vector<16xf32>
        %add3A_198 = arith.addf %add3A_178, %unpack3A_194 : vector<16xf32>
        %add3A_199 = arith.addf %add3A_179, %unpack3A_195 : vector<16xf32>
        scf.yield %add3A_196, %add3A_197, %add3A_198, %add3A_199 : vector<16xf32>, vector<16xf32>, vector<16xf32>, vector<16xf32>
      }
      %scan3A_84 = arith.constant 48 : i32
      %scan3A_85 = arith.constant 0 : i32
      %scan3A_86 = arith.constant 4 : i32
      %scan3A_87 = arith.addi %scan3A_85, %scan3A_86 : i32
      %scan3A_88 = arith.constant 1 : i32
      %scan3A_89:4 = scf.for %scan3A_158 = %scan3A_85 to %scan3A_87 step %scan3A_88 iter_args(%scan3A_159 = %scan3A_83#0, %scan3A_160 = %scan3A_83#1, %scan3A_161 = %scan3A_83#2, %scan3A_162 = %scan3A_83#3) -> (vector<16xf32>, vector<16xf32>, vector<16xf32>, vector<16xf32>)  : i32 {
        %mul3A_163 = arith.constant 2 : i32
        %mul3A_164 = arith.muli %mul3A_163, %scan3A_158 : i32
        %add3A_165 = arith.constant 0 : i32
        %add3A_166 = arith.addi %mul3A_164, %add3A_165 : i32
        %get3A = arith.index_cast %add3A_166 : i32 to index
        %get3A_167 = arith.constant 0 : index
        %get3A_168 = tpu.vector_load %arg8[%get3A, %get3A_167] {strides = array<i32>} : memref<8x32xi32, #tpu.memory_space<vmem>>, vector<16xi32>,
        %bitcast3A = vector.bitcast %get3A_168 : vector<16xi32> to vector<32xbf16>
        %get3A_169 = arith.index_cast %add3A_166 : i32 to index
        %get3A_170 = arith.constant 16 : index
        %get3A_171 = tpu.vector_load %arg8[%get3A_169, %get3A_170] {strides = array<i32>} : memref<8x32xi32, #tpu.memory_space<vmem>>, vector<16xi32>,
        %bitcast3A_172 = vector.bitcast %get3A_171 : vector<16xi32> to vector<32xbf16>
        %unpack3A = tpu.unpack_subelements %bitcast3A, 0 {pack_format = #tpu.pack_format<interleaved>} : vector<32xbf16> -> vector<16xf32>
        %unpack3A_173 = tpu.unpack_subelements %bitcast3A, 1 {pack_format = #tpu.pack_format<interleaved>} : vector<32xbf16> -> vector<16xf32>
        %unpack3A_174 = tpu.unpack_subelements %bitcast3A_172, 0 {pack_format = #tpu.pack_format<interleaved>} : vector<32xbf16> -> vector<16xf32>
        %unpack3A_175 = tpu.unpack_subelements %bitcast3A_172, 1 {pack_format = #tpu.pack_format<interleaved>} : vector<32xbf16> -> vector<16xf32>
        %add3A_176 = arith.addf %scan3A_159, %unpack3A : vector<16xf32>
        %add3A_177 = arith.addf %scan3A_160, %unpack3A_173 : vector<16xf32>
        %add3A_178 = arith.addf %scan3A_161, %unpack3A_174 : vector<16xf32>
        %add3A_179 = arith.addf %scan3A_162, %unpack3A_175 : vector<16xf32>
        %mul3A_180 = arith.constant 2 : i32
        %mul3A_181 = arith.muli %mul3A_180, %scan3A_158 : i32
        %add3A_182 = arith.constant 1 : i32
        %add3A_183 = arith.addi %mul3A_181, %add3A_182 : i32
        %get3A_184 = arith.index_cast %add3A_183 : i32 to index
        %get3A_185 = arith.constant 0 : index
        %get3A_186 = tpu.vector_load %arg8[%get3A_184, %get3A_185] {strides = array<i32>} : memref<8x32xi32, #tpu.memory_space<vmem>>, vector<16xi32>,
        %bitcast3A_187 = vector.bitcast %get3A_186 : vector<16xi32> to vector<32xbf16>
        %get3A_188 = arith.index_cast %add3A_183 : i32 to index
        %get3A_189 = arith.constant 16 : index
        %get3A_190 = tpu.vector_load %arg8[%get3A_188, %get3A_189] {strides = array<i32>} : memref<8x32xi32, #tpu.memory_space<vmem>>, vector<16xi32>,
        %bitcast3A_191 = vector.bitcast %get3A_190 : vector<16xi32> to vector<32xbf16>
        %unpack3A_192 = tpu.unpack_subelements %bitcast3A_187, 0 {pack_format = #tpu.pack_format<interleaved>} : vector<32xbf16> -> vector<16xf32>
        %unpack3A_193 = tpu.unpack_subelements %bitcast3A_187, 1 {pack_format = #tpu.pack_format<interleaved>} : vector<32xbf16> -> vector<16xf32>
        %unpack3A_194 = tpu.unpack_subelements %bitcast3A_191, 0 {pack_format = #tpu.pack_format<interleaved>} : vector<32xbf16> -> vector<16xf32>
        %unpack3A_195 = tpu.unpack_subelements %bitcast3A_191, 1 {pack_format = #tpu.pack_format<interleaved>} : vector<32xbf16> -> vector<16xf32>
        %add3A_196 = arith.addf %add3A_176, %unpack3A_192 : vector<16xf32>
        %add3A_197 = arith.addf %add3A_177, %unpack3A_193 : vector<16xf32>
        %add3A_198 = arith.addf %add3A_178, %unpack3A_194 : vector<16xf32>
        %add3A_199 = arith.addf %add3A_179, %unpack3A_195 : vector<16xf32>
        scf.yield %add3A_196, %add3A_197, %add3A_198, %add3A_199 : vector<16xf32>, vector<16xf32>, vector<16xf32>, vector<16xf32>
      }
      %scan3A_90 = arith.constant 4 : i32
      %swap3A = arith.index_cast %mul3A_32 : i32 to index
      %swap3A_91 = arith.constant 0 : index
      %swap3A_92 = tpu.vector_load %arg12[%swap3A, %swap3A_91] {strides = array<i32>} : memref<128x64xf32, #tpu.memory_space<vmem>>, vector<16xf32>,
      tpu.vector_store %arg12[%swap3A, %swap3A_91], %scan3A_89#0 {strides = array<i32>} : memref<128x64xf32, #tpu.memory_space<vmem>>, vector<16xf32>,
      %swap3A_93 = arith.index_cast %mul3A_32 : i32 to index
      %swap3A_94 = arith.constant 16 : index
      %swap3A_95 = tpu.vector_load %arg12[%swap3A_93, %swap3A_94] {strides = array<i32>} : memref<128x64xf32, #tpu.memory_space<vmem>>, vector<16xf32>,
      tpu.vector_store %arg12[%swap3A_93, %swap3A_94], %scan3A_89#1 {strides = array<i32>} : memref<128x64xf32, #tpu.memory_space<vmem>>, vector<16xf32>,
      %swap3A_96 = arith.index_cast %mul3A_32 : i32 to index
      %swap3A_97 = arith.constant 32 : index
      %swap3A_98 = tpu.vector_load %arg12[%swap3A_96, %swap3A_97] {strides = array<i32>} : memref<128x64xf32, #tpu.memory_space<vmem>>, vector<16xf32>,
      tpu.vector_store %arg12[%swap3A_96, %swap3A_97], %scan3A_89#2 {strides = array<i32>} : memref<128x64xf32, #tpu.memory_space<vmem>>, vector<16xf32>,
      %swap3A_99 = arith.index_cast %mul3A_32 : i32 to index
      %swap3A_100 = arith.constant 48 : index
      %swap3A_101 = tpu.vector_load %arg12[%swap3A_99, %swap3A_100] {strides = array<i32>} : memref<128x64xf32, #tpu.memory_space<vmem>>, vector<16xf32>,
      tpu.vector_store %arg12[%swap3A_99, %swap3A_100], %scan3A_89#3 {strides = array<i32>} : memref<128x64xf32, #tpu.memory_space<vmem>>, vector<16xf32>,
      %lt3A = arith.constant 63 : i32
      %lt3A_102 = arith.cmpi slt, %scan3A_29, %lt3A : i32
      %convert_element_type3A = arith.extui %lt3A_102 : i1 to i32
      %cond3A = arith.constant 0 : i32
      %cond3A_103 = arith.cmpi ne, %convert_element_type3A, %cond3A : i32
      scf.if %cond3A_103 {
        %add3A_158 = arith.constant 2 : i32
        %add3A_159 = arith.addi %mul3A_32, %add3A_158 : i32
        %mul3A_160 = arith.constant 200 : i32
        %mul3A_161 = arith.muli %add3A_159, %mul3A_160 : i32
        %multiple_of3A_162 = tpu.assume_multiple %mul3A_161, 200 : i32
        %add3A_163 = arith.constant 96 : i32
        %add3A_164 = arith.addi %multiple_of3A_162, %add3A_163 : i32
        %add3A_165 = arith.constant 192 : i32
        %add3A_166 = arith.addi %multiple_of3A_162, %add3A_165 : i32
        %dma_start3A_167 = tpu.memref_slice %arg5[%multiple_of3A_162] : memref<25600xi32, #tpu.memory_space<vmem>> -> memref<96xi32, #tpu.memory_space<vmem>>
        %dma_start3A_168 = arith.constant 0 : i32
        %dma_start3A_169 = arith.constant 0 : i32
        %dma_start3A_170 = tpu.memref_slice %arg3[%dma_start3A_168, %dma_start3A_169] : memref<1015808x32xi32, #tpu.memory_space<hbm>> -> memref<1015808x32xi32, #tpu.memory_space<hbm>>
        tpu.enqueue_indirect_dma source(%dma_start3A_170 : memref<1015808x32xi32, #tpu.memory_space<hbm>>) target(%arg6 : memref<96x32xi32, #tpu.memory_space<vmem>>) offsets(%dma_start3A_167 : memref<96xi32, #tpu.memory_space<vmem>>) semaphore(%arg13 : memref<!tpu.dma_semaphore, #tpu.memory_space<semaphore_mem>>)
        %dma_start3A_171 = tpu.memref_slice %arg5[%add3A_164] : memref<25600xi32, #tpu.memory_space<vmem>> -> memref<96xi32, #tpu.memory_space<vmem>>
        %dma_start3A_172 = arith.constant 0 : i32
        %dma_start3A_173 = arith.constant 0 : i32
        %dma_start3A_174 = tpu.memref_slice %arg3[%dma_start3A_172, %dma_start3A_173] : memref<1015808x32xi32, #tpu.memory_space<hbm>> -> memref<1015808x32xi32, #tpu.memory_space<hbm>>
        tpu.enqueue_indirect_dma source(%dma_start3A_174 : memref<1015808x32xi32, #tpu.memory_space<hbm>>) target(%arg7 : memref<96x32xi32, #tpu.memory_space<vmem>>) offsets(%dma_start3A_171 : memref<96xi32, #tpu.memory_space<vmem>>) semaphore(%arg13 : memref<!tpu.dma_semaphore, #tpu.memory_space<semaphore_mem>>)
        %dma_start3A_175 = tpu.memref_slice %arg5[%add3A_166] : memref<25600xi32, #tpu.memory_space<vmem>> -> memref<8xi32, #tpu.memory_space<vmem>>
        %dma_start3A_176 = arith.constant 0 : i32
        %dma_start3A_177 = arith.constant 0 : i32
        %dma_start3A_178 = tpu.memref_slice %arg3[%dma_start3A_176, %dma_start3A_177] : memref<1015808x32xi32, #tpu.memory_space<hbm>> -> memref<1015808x32xi32, #tpu.memory_space<hbm>>
        tpu.enqueue_indirect_dma source(%dma_start3A_178 : memref<1015808x32xi32, #tpu.memory_space<hbm>>) target(%arg8 : memref<8x32xi32, #tpu.memory_space<vmem>>) offsets(%dma_start3A_175 : memref<8xi32, #tpu.memory_space<vmem>>) semaphore(%arg13 : memref<!tpu.dma_semaphore, #tpu.memory_space<semaphore_mem>>)
      } else {
      }
      %add3A_104 = arith.constant 1 : i32
      %add3A_105 = arith.addi %mul3A_32, %add3A_104 : i32
      %mul3A_106 = arith.constant 200 : i32
      %mul3A_107 = arith.muli %add3A_105, %mul3A_106 : i32
      %multiple_of3A_108 = tpu.assume_multiple %mul3A_107, 200 : i32
      %add3A_109 = arith.constant 96 : i32
      %add3A_110 = arith.addi %multiple_of3A_108, %add3A_109 : i32
      %add3A_111 = arith.constant 192 : i32
      %add3A_112 = arith.addi %multiple_of3A_108, %add3A_111 : i32
      %dma_wait3A_113 = tpu.memref_slice %arg5[%multiple_of3A_108] : memref<25600xi32, #tpu.memory_space<vmem>> -> memref<96xi32, #tpu.memory_space<vmem>>
      %dma_wait3A_114 = arith.constant 0 : i32
      %dma_wait3A_115 = arith.constant 0 : i32
      %dma_wait3A_116 = tpu.memref_slice %arg3[%dma_wait3A_114, %dma_wait3A_115] : memref<1015808x32xi32, #tpu.memory_space<hbm>> -> memref<1015808x32xi32, #tpu.memory_space<hbm>>
      tpu.wait_indirect_dma semaphore(%arg14 : memref<!tpu.dma_semaphore, #tpu.memory_space<semaphore_mem>>) src(%dma_wait3A_116 : memref<1015808x32xi32, #tpu.memory_space<hbm>>) dst(%arg9 : memref<96x32xi32, #tpu.memory_space<vmem>>)
      %dma_wait3A_117 = tpu.memref_slice %arg5[%add3A_110] : memref<25600xi32, #tpu.memory_space<vmem>> -> memref<96xi32, #tpu.memory_space<vmem>>
      %dma_wait3A_118 = arith.constant 0 : i32
      %dma_wait3A_119 = arith.constant 0 : i32
      %dma_wait3A_120 = tpu.memref_slice %arg3[%dma_wait3A_118, %dma_wait3A_119] : memref<1015808x32xi32, #tpu.memory_space<hbm>> -> memref<1015808x32xi32, #tpu.memory_space<hbm>>
      tpu.wait_indirect_dma semaphore(%arg14 : memref<!tpu.dma_semaphore, #tpu.memory_space<semaphore_mem>>) src(%dma_wait3A_120 : memref<1015808x32xi32, #tpu.memory_space<hbm>>) dst(%arg10 : memref<96x32xi32, #tpu.memory_space<vmem>>)
      %dma_wait3A_121 = tpu.memref_slice %arg5[%add3A_112] : memref<25600xi32, #tpu.memory_space<vmem>> -> memref<8xi32, #tpu.memory_space<vmem>>
      %dma_wait3A_122 = arith.constant 0 : i32
      %dma_wait3A_123 = arith.constant 0 : i32
      %dma_wait3A_124 = tpu.memref_slice %arg3[%dma_wait3A_122, %dma_wait3A_123] : memref<1015808x32xi32, #tpu.memory_space<hbm>> -> memref<1015808x32xi32, #tpu.memory_space<hbm>>
      tpu.wait_indirect_dma semaphore(%arg14 : memref<!tpu.dma_semaphore, #tpu.memory_space<semaphore_mem>>) src(%dma_wait3A_124 : memref<1015808x32xi32, #tpu.memory_space<hbm>>) dst(%arg11 : memref<8x32xi32, #tpu.memory_space<vmem>>)
      %broadcast_in_dim3A_125 = arith.constant 0.000000e+00 : f32
      %broadcast_in_dim3A_126 = vector.broadcast %broadcast_in_dim3A_125 : f32 to vector<16xf32>
      %scan3A_127 = arith.constant 0 : i32
      %scan3A_128 = arith.constant 48 : i32
      %scan3A_129 = arith.addi %scan3A_127, %scan3A_128 : i32
      %scan3A_130 = arith.constant 1 : i32
      %scan3A_131:4 = scf.for %scan3A_158 = %scan3A_127 to %scan3A_129 step %scan3A_130 iter_args(%scan3A_159 = %broadcast_in_dim3A_126, %scan3A_160 = %broadcast_in_dim3A_126, %scan3A_161 = %broadcast_in_dim3A_126, %scan3A_162 = %broadcast_in_dim3A_126) -> (vector<16xf32>, vector<16xf32>, vector<16xf32>, vector<16xf32>)  : i32 {
        %mul3A_163 = arith.constant 2 : i32
        %mul3A_164 = arith.muli %mul3A_163, %scan3A_158 : i32
        %add3A_165 = arith.constant 0 : i32
        %add3A_166 = arith.addi %mul3A_164, %add3A_165 : i32
        %get3A = arith.index_cast %add3A_166 : i32 to index
        %get3A_167 = arith.constant 0 : index
        %get3A_168 = tpu.vector_load %arg9[%get3A, %get3A_167] {strides = array<i32>} : memref<96x32xi32, #tpu.memory_space<vmem>>, vector<16xi32>,
        %bitcast3A = vector.bitcast %get3A_168 : vector<16xi32> to vector<32xbf16>
        %get3A_169 = arith.index_cast %add3A_166 : i32 to index
        %get3A_170 = arith.constant 16 : index
        %get3A_171 = tpu.vector_load %arg9[%get3A_169, %get3A_170] {strides = array<i32>} : memref<96x32xi32, #tpu.memory_space<vmem>>, vector<16xi32>,
        %bitcast3A_172 = vector.bitcast %get3A_171 : vector<16xi32> to vector<32xbf16>
        %unpack3A = tpu.unpack_subelements %bitcast3A, 0 {pack_format = #tpu.pack_format<interleaved>} : vector<32xbf16> -> vector<16xf32>
        %unpack3A_173 = tpu.unpack_subelements %bitcast3A, 1 {pack_format = #tpu.pack_format<interleaved>} : vector<32xbf16> -> vector<16xf32>
        %unpack3A_174 = tpu.unpack_subelements %bitcast3A_172, 0 {pack_format = #tpu.pack_format<interleaved>} : vector<32xbf16> -> vector<16xf32>
        %unpack3A_175 = tpu.unpack_subelements %bitcast3A_172, 1 {pack_format = #tpu.pack_format<interleaved>} : vector<32xbf16> -> vector<16xf32>
        %add3A_176 = arith.addf %scan3A_159, %unpack3A : vector<16xf32>
        %add3A_177 = arith.addf %scan3A_160, %unpack3A_173 : vector<16xf32>
        %add3A_178 = arith.addf %scan3A_161, %unpack3A_174 : vector<16xf32>
        %add3A_179 = arith.addf %scan3A_162, %unpack3A_175 : vector<16xf32>
        %mul3A_180 = arith.constant 2 : i32
        %mul3A_181 = arith.muli %mul3A_180, %scan3A_158 : i32
        %add3A_182 = arith.constant 1 : i32
        %add3A_183 = arith.addi %mul3A_181, %add3A_182 : i32
        %get3A_184 = arith.index_cast %add3A_183 : i32 to index
        %get3A_185 = arith.constant 0 : index
        %get3A_186 = tpu.vector_load %arg9[%get3A_184, %get3A_185] {strides = array<i32>} : memref<96x32xi32, #tpu.memory_space<vmem>>, vector<16xi32>,
        %bitcast3A_187 = vector.bitcast %get3A_186 : vector<16xi32> to vector<32xbf16>
        %get3A_188 = arith.index_cast %add3A_183 : i32 to index
        %get3A_189 = arith.constant 16 : index
        %get3A_190 = tpu.vector_load %arg9[%get3A_188, %get3A_189] {strides = array<i32>} : memref<96x32xi32, #tpu.memory_space<vmem>>, vector<16xi32>,
        %bitcast3A_191 = vector.bitcast %get3A_190 : vector<16xi32> to vector<32xbf16>
        %unpack3A_192 = tpu.unpack_subelements %bitcast3A_187, 0 {pack_format = #tpu.pack_format<interleaved>} : vector<32xbf16> -> vector<16xf32>
        %unpack3A_193 = tpu.unpack_subelements %bitcast3A_187, 1 {pack_format = #tpu.pack_format<interleaved>} : vector<32xbf16> -> vector<16xf32>
        %unpack3A_194 = tpu.unpack_subelements %bitcast3A_191, 0 {pack_format = #tpu.pack_format<interleaved>} : vector<32xbf16> -> vector<16xf32>
        %unpack3A_195 = tpu.unpack_subelements %bitcast3A_191, 1 {pack_format = #tpu.pack_format<interleaved>} : vector<32xbf16> -> vector<16xf32>
        %add3A_196 = arith.addf %add3A_176, %unpack3A_192 : vector<16xf32>
        %add3A_197 = arith.addf %add3A_177, %unpack3A_193 : vector<16xf32>
        %add3A_198 = arith.addf %add3A_178, %unpack3A_194 : vector<16xf32>
        %add3A_199 = arith.addf %add3A_179, %unpack3A_195 : vector<16xf32>
        scf.yield %add3A_196, %add3A_197, %add3A_198, %add3A_199 : vector<16xf32>, vector<16xf32>, vector<16xf32>, vector<16xf32>
      }
      %scan3A_132 = arith.constant 48 : i32
      %scan3A_133 = arith.constant 0 : i32
      %scan3A_134 = arith.constant 48 : i32
      %scan3A_135 = arith.addi %scan3A_133, %scan3A_134 : i32
      %scan3A_136 = arith.constant 1 : i32
      %scan3A_137:4 = scf.for %scan3A_158 = %scan3A_133 to %scan3A_135 step %scan3A_136 iter_args(%scan3A_159 = %scan3A_131#0, %scan3A_160 = %scan3A_131#1, %scan3A_161 = %scan3A_131#2, %scan3A_162 = %scan3A_131#3) -> (vector<16xf32>, vector<16xf32>, vector<16xf32>, vector<16xf32>)  : i32 {
        %mul3A_163 = arith.constant 2 : i32
        %mul3A_164 = arith.muli %mul3A_163, %scan3A_158 : i32
        %add3A_165 = arith.constant 0 : i32
        %add3A_166 = arith.addi %mul3A_164, %add3A_165 : i32
        %get3A = arith.index_cast %add3A_166 : i32 to index
        %get3A_167 = arith.constant 0 : index
        %get3A_168 = tpu.vector_load %arg10[%get3A, %get3A_167] {strides = array<i32>} : memref<96x32xi32, #tpu.memory_space<vmem>>, vector<16xi32>,
        %bitcast3A = vector.bitcast %get3A_168 : vector<16xi32> to vector<32xbf16>
        %get3A_169 = arith.index_cast %add3A_166 : i32 to index
        %get3A_170 = arith.constant 16 : index
        %get3A_171 = tpu.vector_load %arg10[%get3A_169, %get3A_170] {strides = array<i32>} : memref<96x32xi32, #tpu.memory_space<vmem>>, vector<16xi32>,
        %bitcast3A_172 = vector.bitcast %get3A_171 : vector<16xi32> to vector<32xbf16>
        %unpack3A = tpu.unpack_subelements %bitcast3A, 0 {pack_format = #tpu.pack_format<interleaved>} : vector<32xbf16> -> vector<16xf32>
        %unpack3A_173 = tpu.unpack_subelements %bitcast3A, 1 {pack_format = #tpu.pack_format<interleaved>} : vector<32xbf16> -> vector<16xf32>
        %unpack3A_174 = tpu.unpack_subelements %bitcast3A_172, 0 {pack_format = #tpu.pack_format<interleaved>} : vector<32xbf16> -> vector<16xf32>
        %unpack3A_175 = tpu.unpack_subelements %bitcast3A_172, 1 {pack_format = #tpu.pack_format<interleaved>} : vector<32xbf16> -> vector<16xf32>
        %add3A_176 = arith.addf %scan3A_159, %unpack3A : vector<16xf32>
        %add3A_177 = arith.addf %scan3A_160, %unpack3A_173 : vector<16xf32>
        %add3A_178 = arith.addf %scan3A_161, %unpack3A_174 : vector<16xf32>
        %add3A_179 = arith.addf %scan3A_162, %unpack3A_175 : vector<16xf32>
        %mul3A_180 = arith.constant 2 : i32
        %mul3A_181 = arith.muli %mul3A_180, %scan3A_158 : i32
        %add3A_182 = arith.constant 1 : i32
        %add3A_183 = arith.addi %mul3A_181, %add3A_182 : i32
        %get3A_184 = arith.index_cast %add3A_183 : i32 to index
        %get3A_185 = arith.constant 0 : index
        %get3A_186 = tpu.vector_load %arg10[%get3A_184, %get3A_185] {strides = array<i32>} : memref<96x32xi32, #tpu.memory_space<vmem>>, vector<16xi32>,
        %bitcast3A_187 = vector.bitcast %get3A_186 : vector<16xi32> to vector<32xbf16>
        %get3A_188 = arith.index_cast %add3A_183 : i32 to index
        %get3A_189 = arith.constant 16 : index
        %get3A_190 = tpu.vector_load %arg10[%get3A_188, %get3A_189] {strides = array<i32>} : memref<96x32xi32, #tpu.memory_space<vmem>>, vector<16xi32>,
        %bitcast3A_191 = vector.bitcast %get3A_190 : vector<16xi32> to vector<32xbf16>
        %unpack3A_192 = tpu.unpack_subelements %bitcast3A_187, 0 {pack_format = #tpu.pack_format<interleaved>} : vector<32xbf16> -> vector<16xf32>
        %unpack3A_193 = tpu.unpack_subelements %bitcast3A_187, 1 {pack_format = #tpu.pack_format<interleaved>} : vector<32xbf16> -> vector<16xf32>
        %unpack3A_194 = tpu.unpack_subelements %bitcast3A_191, 0 {pack_format = #tpu.pack_format<interleaved>} : vector<32xbf16> -> vector<16xf32>
        %unpack3A_195 = tpu.unpack_subelements %bitcast3A_191, 1 {pack_format = #tpu.pack_format<interleaved>} : vector<32xbf16> -> vector<16xf32>
        %add3A_196 = arith.addf %add3A_176, %unpack3A_192 : vector<16xf32>
        %add3A_197 = arith.addf %add3A_177, %unpack3A_193 : vector<16xf32>
        %add3A_198 = arith.addf %add3A_178, %unpack3A_194 : vector<16xf32>
        %add3A_199 = arith.addf %add3A_179, %unpack3A_195 : vector<16xf32>
        scf.yield %add3A_196, %add3A_197, %add3A_198, %add3A_199 : vector<16xf32>, vector<16xf32>, vector<16xf32>, vector<16xf32>
      }
      %scan3A_138 = arith.constant 48 : i32
      %scan3A_139 = arith.constant 0 : i32
      %scan3A_140 = arith.constant 4 : i32
      %scan3A_141 = arith.addi %scan3A_139, %scan3A_140 : i32
      %scan3A_142 = arith.constant 1 : i32
      %scan3A_143:4 = scf.for %scan3A_158 = %scan3A_139 to %scan3A_141 step %scan3A_142 iter_args(%scan3A_159 = %scan3A_137#0, %scan3A_160 = %scan3A_137#1, %scan3A_161 = %scan3A_137#2, %scan3A_162 = %scan3A_137#3) -> (vector<16xf32>, vector<16xf32>, vector<16xf32>, vector<16xf32>)  : i32 {
        %mul3A_163 = arith.constant 2 : i32
        %mul3A_164 = arith.muli %mul3A_163, %scan3A_158 : i32
        %add3A_165 = arith.constant 0 : i32
        %add3A_166 = arith.addi %mul3A_164, %add3A_165 : i32
        %get3A = arith.index_cast %add3A_166 : i32 to index
        %get3A_167 = arith.constant 0 : index
        %get3A_168 = tpu.vector_load %arg11[%get3A, %get3A_167] {strides = array<i32>} : memref<8x32xi32, #tpu.memory_space<vmem>>, vector<16xi32>,
        %bitcast3A = vector.bitcast %get3A_168 : vector<16xi32> to vector<32xbf16>
        %get3A_169 = arith.index_cast %add3A_166 : i32 to index
        %get3A_170 = arith.constant 16 : index
        %get3A_171 = tpu.vector_load %arg11[%get3A_169, %get3A_170] {strides = array<i32>} : memref<8x32xi32, #tpu.memory_space<vmem>>, vector<16xi32>,
        %bitcast3A_172 = vector.bitcast %get3A_171 : vector<16xi32> to vector<32xbf16>
        %unpack3A = tpu.unpack_subelements %bitcast3A, 0 {pack_format = #tpu.pack_format<interleaved>} : vector<32xbf16> -> vector<16xf32>
        %unpack3A_173 = tpu.unpack_subelements %bitcast3A, 1 {pack_format = #tpu.pack_format<interleaved>} : vector<32xbf16> -> vector<16xf32>
        %unpack3A_174 = tpu.unpack_subelements %bitcast3A_172, 0 {pack_format = #tpu.pack_format<interleaved>} : vector<32xbf16> -> vector<16xf32>
        %unpack3A_175 = tpu.unpack_subelements %bitcast3A_172, 1 {pack_format = #tpu.pack_format<interleaved>} : vector<32xbf16> -> vector<16xf32>
        %add3A_176 = arith.addf %scan3A_159, %unpack3A : vector<16xf32>
        %add3A_177 = arith.addf %scan3A_160, %unpack3A_173 : vector<16xf32>
        %add3A_178 = arith.addf %scan3A_161, %unpack3A_174 : vector<16xf32>
        %add3A_179 = arith.addf %scan3A_162, %unpack3A_175 : vector<16xf32>
        %mul3A_180 = arith.constant 2 : i32
        %mul3A_181 = arith.muli %mul3A_180, %scan3A_158 : i32
        %add3A_182 = arith.constant 1 : i32
        %add3A_183 = arith.addi %mul3A_181, %add3A_182 : i32
        %get3A_184 = arith.index_cast %add3A_183 : i32 to index
        %get3A_185 = arith.constant 0 : index
        %get3A_186 = tpu.vector_load %arg11[%get3A_184, %get3A_185] {strides = array<i32>} : memref<8x32xi32, #tpu.memory_space<vmem>>, vector<16xi32>,
        %bitcast3A_187 = vector.bitcast %get3A_186 : vector<16xi32> to vector<32xbf16>
        %get3A_188 = arith.index_cast %add3A_183 : i32 to index
        %get3A_189 = arith.constant 16 : index
        %get3A_190 = tpu.vector_load %arg11[%get3A_188, %get3A_189] {strides = array<i32>} : memref<8x32xi32, #tpu.memory_space<vmem>>, vector<16xi32>,
        %bitcast3A_191 = vector.bitcast %get3A_190 : vector<16xi32> to vector<32xbf16>
        %unpack3A_192 = tpu.unpack_subelements %bitcast3A_187, 0 {pack_format = #tpu.pack_format<interleaved>} : vector<32xbf16> -> vector<16xf32>
        %unpack3A_193 = tpu.unpack_subelements %bitcast3A_187, 1 {pack_format = #tpu.pack_format<interleaved>} : vector<32xbf16> -> vector<16xf32>
        %unpack3A_194 = tpu.unpack_subelements %bitcast3A_191, 0 {pack_format = #tpu.pack_format<interleaved>} : vector<32xbf16> -> vector<16xf32>
        %unpack3A_195 = tpu.unpack_subelements %bitcast3A_191, 1 {pack_format = #tpu.pack_format<interleaved>} : vector<32xbf16> -> vector<16xf32>
        %add3A_196 = arith.addf %add3A_176, %unpack3A_192 : vector<16xf32>
        %add3A_197 = arith.addf %add3A_177, %unpack3A_193 : vector<16xf32>
        %add3A_198 = arith.addf %add3A_178, %unpack3A_194 : vector<16xf32>
        %add3A_199 = arith.addf %add3A_179, %unpack3A_195 : vector<16xf32>
        scf.yield %add3A_196, %add3A_197, %add3A_198, %add3A_199 : vector<16xf32>, vector<16xf32>, vector<16xf32>, vector<16xf32>
      }
      %scan3A_144 = arith.constant 4 : i32
      %swap3A_145 = arith.index_cast %add3A_105 : i32 to index
      %swap3A_146 = arith.constant 0 : index
      %swap3A_147 = tpu.vector_load %arg12[%swap3A_145, %swap3A_146] {strides = array<i32>} : memref<128x64xf32, #tpu.memory_space<vmem>>, vector<16xf32>,
      tpu.vector_store %arg12[%swap3A_145, %swap3A_146], %scan3A_143#0 {strides = array<i32>} : memref<128x64xf32, #tpu.memory_space<vmem>>, vector<16xf32>,
      %swap3A_148 = arith.index_cast %add3A_105 : i32 to index
      %swap3A_149 = arith.constant 16 : index
      %swap3A_150 = tpu.vector_load %arg12[%swap3A_148, %swap3A_149] {strides = array<i32>} : memref<128x64xf32, #tpu.memory_space<vmem>>, vector<16xf32>,
      tpu.vector_store %arg12[%swap3A_148, %swap3A_149], %scan3A_143#1 {strides = array<i32>} : memref<128x64xf32, #tpu.memory_space<vmem>>, vector<16xf32>,
      %swap3A_151 = arith.index_cast %add3A_105 : i32 to index
      %swap3A_152 = arith.constant 32 : index
      %swap3A_153 = tpu.vector_load %arg12[%swap3A_151, %swap3A_152] {strides = array<i32>} : memref<128x64xf32, #tpu.memory_space<vmem>>, vector<16xf32>,
      tpu.vector_store %arg12[%swap3A_151, %swap3A_152], %scan3A_143#2 {strides = array<i32>} : memref<128x64xf32, #tpu.memory_space<vmem>>, vector<16xf32>,
      %swap3A_154 = arith.index_cast %add3A_105 : i32 to index
      %swap3A_155 = arith.constant 48 : index
      %swap3A_156 = tpu.vector_load %arg12[%swap3A_154, %swap3A_155] {strides = array<i32>} : memref<128x64xf32, #tpu.memory_space<vmem>>, vector<16xf32>,
      tpu.vector_store %arg12[%swap3A_154, %swap3A_155], %scan3A_143#3 {strides = array<i32>} : memref<128x64xf32, #tpu.memory_space<vmem>>, vector<16xf32>,
      %scan3A_157 = arith.constant 0 : i32
      scf.yield %scan3A_157 : i32
    }
    %scan3A_25 = arith.constant 64 : i32
    %mul3A_26 = arith.constant 128 : i32
    %mul3A_27 = arith.muli %add3A, %mul3A_26 : i32
    %multiple_of3A_28 = tpu.assume_multiple %mul3A_27, 128 : i32
    "tpu.region"() ({
      %run_scoped3A = tpu.sem_alloc : memref<!tpu.dma_semaphore, #tpu.memory_space<semaphore_mem>>
      %dma_start3A_29 = arith.constant 0 : i32
      %dma_start3A_30 = tpu.memref_slice %arg4[%multiple_of3A_28, %dma_start3A_29] : memref<4096x64xf32, #tpu.memory_space<hbm>> -> memref<128x64xf32, #tpu.memory_space<hbm>>
      %dma_start3A_31 = arith.constant 0 : i32
      %dma_start3A_32 = tpu.memref_slice %arg4[%multiple_of3A_28, %dma_start3A_31] : memref<4096x64xf32, #tpu.memory_space<hbm>> -> memref<128x64xf32, #tpu.memory_space<hbm>>
      tpu.enqueue_dma source(%arg12 : memref<128x64xf32, #tpu.memory_space<vmem>>) target(%dma_start3A_32 : memref<128x64xf32, #tpu.memory_space<hbm>>) target_semaphore(%run_scoped3A : memref<!tpu.dma_semaphore, #tpu.memory_space<semaphore_mem>>)
      %dma_wait3A = arith.constant 0 : i32
      %dma_wait3A_33 = tpu.memref_slice %arg4[%multiple_of3A_28, %dma_wait3A] : memref<4096x64xf32, #tpu.memory_space<hbm>> -> memref<128x64xf32, #tpu.memory_space<hbm>>
      %dma_wait3A_34 = arith.constant 0 : i32
      %dma_wait3A_35 = tpu.memref_slice %arg4[%multiple_of3A_28, %dma_wait3A_34] : memref<4096x64xf32, #tpu.memory_space<hbm>> -> memref<128x64xf32, #tpu.memory_space<hbm>>
      tpu.wait_dma2 semaphore(%run_scoped3A : memref<!tpu.dma_semaphore, #tpu.memory_space<semaphore_mem>>) src(%arg12 : memref<128x64xf32, #tpu.memory_space<vmem>>) dst(%dma_wait3A_35 : memref<128x64xf32, #tpu.memory_space<hbm>>)
      tpu.yield
    }) : () -> ()
    return
  }
}

module attributes {stable_mosaic.version = 14 : i64} {
  func.func @_pack_body(%arg0: i32, %arg1: memref<64x32768xf32, #tpu.memory_space<vmem>>, %arg2: memref<8192x128xi32, #tpu.memory_space<vmem>>) attributes {dimension_semantics = [#tpu.dimension_semantics<parallel>], iteration_bounds = array<i64: 31>, scalar_prefetch = 0 : i64, scratch_operands = 0 : i64, tpu.core_type = #tpu.core_type<tc>, window_params = [{transform_indices = @transform_0, window_bounds = array<i64: 64, 32768>}, {transform_indices = @transform_1, window_bounds = array<i64: 8192, 128>}]} {
    %get3A = arith.constant 0 : index
    %get3A_0 = arith.constant 0 : index
    %get3A_1 = vector.load %arg1[%get3A, %get3A_0] : memref<64x32768xf32, #tpu.memory_space<vmem>>, vector<64x32768xf32>
    %convert_element_type3A = arith.truncf %get3A_1 : vector<64x32768xf32> to vector<64x32768xbf16>
    %slice3A = vector.extract_strided_slice %convert_element_type3A {offsets = [0, 0], sizes = [32, 32768], strides = [1, 1]} : vector<64x32768xbf16> to vector<32x32768xbf16>
    %bitcast_convert_type3A = tpu.bitcast %slice3A : vector<32x32768xbf16> -> vector<32x32768xi16>
    %convert_element_type3A_2 = arith.extui %bitcast_convert_type3A : vector<32x32768xi16> to vector<32x32768xi32>
    %slice3A_3 = vector.extract_strided_slice %convert_element_type3A {offsets = [32, 0], sizes = [32, 32768], strides = [1, 1]} : vector<64x32768xbf16> to vector<32x32768xbf16>
    %bitcast_convert_type3A_4 = tpu.bitcast %slice3A_3 : vector<32x32768xbf16> -> vector<32x32768xi16>
    %convert_element_type3A_5 = arith.extui %bitcast_convert_type3A_4 : vector<32x32768xi16> to vector<32x32768xi32>
    %shift_left3A = arith.constant 16 : i32
    %shift_left3A_6 = vector.broadcast %shift_left3A : i32 to vector<32x32768xi32>
    %shift_left3A_7 = arith.shli %convert_element_type3A_5, %shift_left3A_6 : vector<32x32768xi32>
    %or3A = arith.ori %convert_element_type3A_2, %shift_left3A_7 : vector<32x32768xi32>
    %bitcast_convert_type3A_8 = tpu.bitcast %or3A : vector<32x32768xi32> -> vector<32x32768xi32>
    %slice3A_9 = vector.extract_strided_slice %bitcast_convert_type3A_8 {offsets = [0, 0], sizes = [32, 8192], strides = [1, 1]} : vector<32x32768xi32> to vector<32x8192xi32>
    %slice3A_10 = vector.extract_strided_slice %bitcast_convert_type3A_8 {offsets = [0, 8192], sizes = [32, 8192], strides = [1, 1]} : vector<32x32768xi32> to vector<32x8192xi32>
    %slice3A_11 = vector.extract_strided_slice %bitcast_convert_type3A_8 {offsets = [0, 16384], sizes = [32, 8192], strides = [1, 1]} : vector<32x32768xi32> to vector<32x8192xi32>
    %slice3A_12 = vector.extract_strided_slice %bitcast_convert_type3A_8 {offsets = [0, 24576], sizes = [32, 8192], strides = [1, 1]} : vector<32x32768xi32> to vector<32x8192xi32>
    %concatenate3A = tpu.concatenate %slice3A_9, %slice3A_10, %slice3A_11, %slice3A_12 in 0 : vector<32x8192xi32>, vector<32x8192xi32>, vector<32x8192xi32>, vector<32x8192xi32> -> vector<128x8192xi32>
    %transpose3A = tpu.transpose %concatenate3A, [1, 0] : vector<128x8192xi32> -> vector<8192x128xi32>
    %swap3A = arith.constant 0 : index
    %swap3A_13 = arith.constant 0 : index
    %swap3A_14 = vector.load %arg2[%swap3A, %swap3A_13] : memref<8192x128xi32, #tpu.memory_space<vmem>>, vector<8192x128xi32>
    tpu.vector_store %arg2[%swap3A, %swap3A_13], %transpose3A {strides = array<i32>} : memref<8192x128xi32, #tpu.memory_space<vmem>>, vector<8192x128xi32>,
    return
  }
  func.func @transform_0(%arg0: i32) -> (i32, i32) {
    %c0_i32 = arith.constant 0 : i32
    %c0_i32_0 = arith.constant 0 : i32
    return %c0_i32, %arg0 : i32, i32
  }
  func.func @transform_1(%arg0: i32) -> (i32, i32) {
    %c0_i32 = arith.constant 0 : i32
    %c0_i32_0 = arith.constant 0 : i32
    return %arg0, %c0_i32 : i32, i32
  }
}

module attributes {stable_mosaic.version = 14 : i64} {
  func.func @_dense_body(%arg0: i32, %arg1: memref<1024x64xf32, #tpu.memory_space<vmem>>, %arg2: memref<1000x64xf32, #tpu.memory_space<vmem>>, %arg3: memref<1x1000xf32, #tpu.memory_space<vmem>>, %arg4: memref<1024x1000xf32, #tpu.memory_space<vmem>>) attributes {dimension_semantics = [#tpu.dimension_semantics<parallel>], iteration_bounds = array<i64: 4>, scalar_prefetch = 0 : i64, scratch_operands = 0 : i64, tpu.core_type = #tpu.core_type<tc>, window_params = [{transform_indices = @transform_0, window_bounds = array<i64: 1024, 64>}, {pipeline_mode = #tpu.pipeline_mode<synchronous>, transform_indices = @transform_1, window_bounds = array<i64: 1000, 64>}, {pipeline_mode = #tpu.pipeline_mode<synchronous>, transform_indices = @transform_2, window_bounds = array<i64: 1, 1000>}, {transform_indices = @transform_3, window_bounds = array<i64: 1024, 1000>}]} {
    %get3A = arith.constant 0 : index
    %get3A_0 = arith.constant 0 : index
    %get3A_1 = vector.load %arg1[%get3A, %get3A_0] : memref<1024x64xf32, #tpu.memory_space<vmem>>, vector<1024x64xf32>
    %get3A_2 = arith.constant 0 : index
    %get3A_3 = arith.constant 0 : index
    %get3A_4 = vector.load %arg2[%get3A_2, %get3A_3] : memref<1000x64xf32, #tpu.memory_space<vmem>>, vector<1000x64xf32>
    %dot_general3A = arith.constant dense<0.000000e+00> : vector<1024x1000xf32>
    %dot_general3A_5 = tpu.matmul %get3A_1, %get3A_4, %dot_general3A {dimension_numbers = #tpu.dot_dimension_numbers<[1], [1], [0], [0], [0, 0, 1, 0], [], []>, transpose_lhs_hint = false} : vector<1024x64xf32>, vector<1000x64xf32>, vector<1024x1000xf32> -> vector<1024x1000xf32>
    %get3A_6 = arith.constant 0 : index
    %get3A_7 = arith.constant 0 : index
    %get3A_8 = vector.load %arg3[%get3A_6, %get3A_7] : memref<1x1000xf32, #tpu.memory_space<vmem>>, vector<1x1000xf32>
    %add3A = vector.broadcast %get3A_8 : vector<1x1000xf32> to vector<1024x1000xf32>
    %add3A_9 = arith.addf %dot_general3A_5, %add3A : vector<1024x1000xf32>
    %swap3A = arith.constant 0 : index
    %swap3A_10 = arith.constant 0 : index
    %swap3A_11 = vector.load %arg4[%swap3A, %swap3A_10] : memref<1024x1000xf32, #tpu.memory_space<vmem>>, vector<1024x1000xf32>
    tpu.vector_store %arg4[%swap3A, %swap3A_10], %add3A_9 {strides = array<i32>} : memref<1024x1000xf32, #tpu.memory_space<vmem>>, vector<1024x1000xf32>,
    return
  }
  func.func @transform_0(%arg0: i32) -> (i32, i32) {
    %c0_i32 = arith.constant 0 : i32
    %c0_i32_0 = arith.constant 0 : i32
    return %arg0, %c0_i32 : i32, i32
  }
  func.func @transform_1(%arg0: i32) -> (i32, i32) {
    %c0_i32 = arith.constant 0 : i32
    %c0_i32_0 = arith.constant 0 : i32
    %c0_i32_1 = arith.constant 0 : i32
    return %c0_i32, %c0_i32_0 : i32, i32
  }
  func.func @transform_2(%arg0: i32) -> (i32, i32) {
    %c0_i32 = arith.constant 0 : i32
    %c0_i32_0 = arith.constant 0 : i32
    %c0_i32_1 = arith.constant 0 : i32
    return %c0_i32, %c0_i32_0 : i32, i32
  }
  func.func @transform_3(%arg0: i32) -> (i32, i32) {
    %c0_i32 = arith.constant 0 : i32
    %c0_i32_0 = arith.constant 0 : i32
    return %arg0, %c0_i32 : i32, i32
  }
}

</mosaic_0001>

<sc_bundles>
// kernel: kernel.5.cloned.1.call-start
scs
__scs_entry_jumppad:
0x0: {  	(pc) =	sbr.rel $0x88, $3  }
0x1: {  	(tag) =	ssettag $0x0;
	lr =	simm.s32 $0x1  }
0x2: {  	[smem:$0x3F9D] =	sst lr;
	_ =	strace $0xD0000000  }
0x3: {  	_ = 	snop  }
0x4: {  	_ = 	snop  }
0x5: {  	_ = 	snop  }
0x6: {  	_ = 	snop  }
0x7: {  	_ = 	snop  }
__scs_overlays_trampoline_lowered:
0x8: {  	[smem:$0x3FAC] =	sst s0  }
0x9: {  	[smem:$0x3FAD] =	sst s1  }
0xa: {  	[smem:$0x3FAE] =	sst s2  }
0xb: {  	[smem:$0x3FAF] =	sst s3  }
0xc: {  	[smem:$0x3FB0] =	sst s4  }
0xd: {  	[smem:$0x3FB1] =	sst s5  }
0xe: {  	[smem:$0x3FB2] =	sst s6  }
0xf: {  	[smem:$0x3FB3] =	sst s7  }
0x10: {  	[smem:$0x3FB4] =	sst s8  }
0x11: {  	[smem:$0x3FB5] =	sst s9;
	s0 =	simm.s32 @!p0 $0x0  }
0x12: {  	s1 =	sld [smem:$0x3F9B];
	s0 =	simm.s32 @p0 $0x1  }
0x13: {  	[smem:$0x3FB6] =	sst s0;
	s0 =	simm.s32 @!p1 $0x0  }
0x14: {  	s2 =	sld [smem:$0x3F9A];
	s0 =	simm.s32 @p1 $0x1  }
0x15: {  	[smem:$0x3FB7] =	sst s0;
	s0 =	simm.s32 @!p2 $0x0  }
0x16: {  	s3 =	sld [smem:$0x3FDB];
	s0 =	simm.s32 @p2 $0x1  }
0x17: {  	s4 =	simm.s32 $0x1BF5;
	[smem:$0x3FB9] =	sst s0  }
0x18: {  	s0 =	sld [smem:$0x3F9C];
	_ =	swait.ge [sflag:s4], $0x0  }
0x19: {  	s7 =	sld [smem:$0x3F9D]  }
0x1a: {  	s8 =	sadd.s32 $0xFFFFE003, lr  }
0x1b: {  	s9 =	sadd.s32 $0xFFFFFEF7, lr;
	s5 =	simm.s32 $0xFFFFFFFF;
	p2 =	slt.u32 s8, $0xFFFFF086  }
0x1c: {  	p1 =	slt.u32 s9, $0xF7A;
	s5 =	simm.s32 @!p2 $0x0  }
0x1d: {  	s5 =	simm.s32 @p1 $0x1;
	p0 =	seq.s32 s7, s2  }
0x1e: {  	s7 =	smul.u32 @!p0 $0xF7A, s2;
	p2 =	seq.s32 @!p0 s5, $0x0  }
0x1f: {  	s9 =	smul.u32 $0xF7A, s1;
	s8 =	simm.s32 @!p0 $0x1BF5;
	p2 =	por !p2, p0  }
0x20: {  	[sflag:s8] =	ssyncset.s32 @!p0 $0xFFFFF086;
	s6 =	sadd.s32 @!p0 s3, s7;
	s7 =	simm.s32 @!p0 $0x108  }
0x21: {  	s3 =	sadd.s32 s3, s9;
	s6 =	sadd.s32 @!p0 $0x88, s6;
	s7 =	simm.s32 @p2 $0x1082  }
0x22: {  	[simem:s7], [sflag:s8] =	dma.local @!p0 [hbm:s6], $0xF7A  }
0x23: {  	s9 =	sor.u32 $0xD0000000, s2;
	s6 =	simm.s32 $0x108;
	_ =	swait.ge @!p0 [sflag:s8], $0x0  }
0x24: {  	s3 =	sadd.s32 $0x88, s3;
	s6 =	simm.s32 @!p1 $0x1082;
	[sflag:s4] =	ssyncset.s32 $0xFFFFF086  }
0x25: {  	[simem:s6], [sflag:s4] =	dma.local [hbm:s3], $0xF7A  }
0x26: {  	[smem:$0x3F9D] =	sst s1;
	(tag) =	ssettag s2;
	_ =	strace s9  }
0x27: {  	s1 =	sld [smem:$0x3FAD]  }
0x28: {  	s2 =	sld [smem:$0x3FAE]  }
0x29: {  	s4 =	sld [smem:$0x3FB0]  }
0x2a: {  	p0 =	seq.s32 s5, $0x0;
	s5 =	sld [smem:$0x3FB1]  }
0x2b: {  	s6 =	sld [smem:$0x3FB2]  }
0x2c: {  	s7 =	sld [smem:$0x3FB3]  }
0x2d: {  	s3 =	simm.s32 $0x108;
	s8 =	sld [smem:$0x3FB4]  }
0x2e: {  	s3 =	simm.s32 @!p0 $0x1082;
	s9 =	sld [smem:$0x3FB5]  }
0x2f: {  	lr =	sadd.s32 s0, s3;
	s0 =	sld [smem:$0x3FAC]  }
0x30: {  	s3 =	sld [smem:$0x3FAF]  }
0x31: {  	[smem:$0x3FB8] =	sst s10  }
0x32: {  	s10 =	sld [smem:$0x3FB6];
	_ =	sdelay $0x3  }
0x33: {  	p0 =	seq.s32 s10, $0x1;
	s10 =	sld [smem:$0x3FB8];
	_ =	sdelay $0x3  }
0x34: {  	[smem:$0x3FB8] =	sst s10  }
0x35: {  	s10 =	sld [smem:$0x3FB7];
	_ =	sdelay $0x3  }
0x36: {  	p1 =	seq.s32 s10, $0x1;
	s10 =	sld [smem:$0x3FB8];
	_ =	sdelay $0x3  }
0x37: {  	[smem:$0x3FB8] =	sst s10  }
0x38: {  	s10 =	sld [smem:$0x3FB9]  }
0x39: {  	_ = 	snop;
	(pc) =	sbr.ind lr, $3  }
0x3a: {  	_ = 	snop  }
0x3b: {  	_ = 	snop  }
0x3c: {  	p2 =	seq.s32 s10, $0x1;
	s10 =	sld [smem:$0x3FB8]  }
0x3d: {  	_ =	shalt  }
0x3e: {  	_ =	shalt  }
0x3f: {  	_ =	shalt  }
0x40: {  	_ =	shalt  }
0x41: {  	_ =	shalt  }
0x42: {  	_ =	shalt  }
0x43: {  	_ =	shalt  }
0x44: {  	_ =	shalt  }
0x45: {  	_ =	shalt  }
0x46: {  	_ =	shalt  }
0x47: {  	_ =	shalt  }
0x48: {  	_ =	shalt  }
0x49: {  	_ =	shalt  }
0x4a: {  	_ =	shalt  }
0x4b: {  	_ =	shalt  }
0x4c: {  	_ =	shalt  }
0x4d: {  	_ =	shalt  }
0x4e: {  	_ =	shalt  }
0x4f: {  	_ =	shalt  }
0x50: {  	_ =	shalt  }
0x51: {  	_ =	shalt  }
0x52: {  	_ =	shalt  }
0x53: {  	_ =	shalt  }
0x54: {  	_ =	shalt  }
0x55: {  	_ =	shalt  }
0x56: {  	_ =	shalt  }
0x57: {  	_ =	shalt  }
0x58: {  	_ =	shalt  }
0x59: {  	_ =	shalt  }
0x5a: {  	_ =	shalt  }
0x5b: {  	_ =	shalt  }
0x5c: {  	_ =	shalt  }
0x5d: {  	_ =	shalt  }
0x5e: {  	_ =	shalt  }
0x5f: {  	_ =	shalt  }
0x60: {  	_ =	shalt  }
0x61: {  	_ =	shalt  }
0x62: {  	_ =	shalt  }
0x63: {  	_ =	shalt  }
0x64: {  	_ =	shalt  }
0x65: {  	_ =	shalt  }
0x66: {  	_ =	shalt  }
0x67: {  	_ =	shalt  }
0x68: {  	_ =	shalt  }
0x69: {  	_ =	shalt  }
0x6a: {  	_ =	shalt  }
0x6b: {  	_ =	shalt  }
0x6c: {  	_ =	shalt  }
0x6d: {  	_ =	shalt  }
0x6e: {  	_ =	shalt  }
0x6f: {  	_ =	shalt  }
0x70: {  	_ =	shalt  }
0x71: {  	_ =	shalt  }
0x72: {  	_ =	shalt  }
0x73: {  	_ =	shalt  }
0x74: {  	_ =	shalt  }
0x75: {  	_ =	shalt  }
0x76: {  	_ =	shalt  }
0x77: {  	_ =	shalt  }
0x78: {  	_ =	shalt  }
0x79: {  	_ =	shalt  }
0x7a: {  	_ =	shalt  }
0x7b: {  	_ =	shalt  }
0x7c: {  	_ =	shalt  }
0x7d: {  	_ =	shalt  }
0x7e: {  	_ =	shalt  }
0x7f: {  	_ =	shalt  }
0x80: {  	_ =	shalt  }
0x81: {  	_ =	shalt  }
0x82: {  	_ =	shalt  }
0x83: {  	_ =	shalt  }
0x84: {  	_ =	shalt  }
0x85: {  	_ =	shalt  }
0x86: {  	_ =	shalt  }
0x87: {  	_ =	shalt  }
.Lfunc_end0:
.L_simem_size_0:
called_computation_lowered:
.L_overlay_start_0:
0x88: {  	s2 =	sld [smem:$0x3FD9]  }
0x89: {  	s3 =	sld [smem:$0x3FFE];
	_ =	sdelay $0x1  }
0x8a: {  	s1 =	srdreg.scid  }
0x8b: {  	s0 =	sand.u32 $0x1, s1  }
0x8c: {  	s17 =	sshll.u32 s0, $0xA;
	s2 =	sadd.s32 s3, s2  }
0x8d: {  	s2 =	sadd.s32 s2, s17  }
0x8e: {  	[smem:$0x3FC4] =	sst s2  }
0x8f: {  	_ = 	snop  }
0x90: {  	s2 =	sld [smem:$0x3FD0];
	(tm) =	ssettm $0x1  }
0x91: {  	s18 =	sld [smem:$0x3FFB];
	_ =	sdelay $0x3  }
0x92: {  	_ =	strace s18  }
0x93: {  	s3 =	sld [smem:$0x3FFC];
	_ =	sdelay $0x3  }
0x94: {  	_ =	strace s3  }
0x95: {  	s3 =	sld [smem:$0x3FFD];
	_ =	sdelay $0x3  }
0x96: {  	_ =	strace s3  }
0x97: {  	_ =	strace $0x8FFFFFFF  }
0x98: {  	s19 =	sld [smem:$0x3FDB];
	_ =	sdelay $0x1  }
0x99: {  	s4 =	simm.s32 $_scs_section_size  }
0x9a: {  	s5 =	simm.s32 $_size__tile_overlayer_lowered;
	s6 =	simm.s32 $_tile_overlayer_lowered  }
0x9b: {  	s22 =	simm.s32 $0x1BFF;
	s21 =	sshll.u32 s6, $0x1;
	s3 =	sadd.s32 s4, s19  }
0x9c: {  	s7 =	simm.s32 $0x0;
	s20 =	sshll.u32 s5, $0x1;
	s5 =	sadd.s32 s21, s3  }
0x9d: {  	[timem:s7], [sflag:s22] =	dma.local [hbm:s5], s20  }
0x9e: {  	_ =	swait.ge [sflag:s22], s20  }
0x9f: {  	s4 =	ssub.s32 $0x0, s20;
	[sflag:s22] =	ssyncset.done $0x0  }
0xa0: {  	[sflag:s22] =	ssyncadd.s32 s4;
	_ =	sdelay $0x1  }
0xa1: {  	s23 =	simm.s32 $0x1B8B  }
0xa2: {  	_ =	swait.ge [sflag:s23], $0x1  }
0xa3: {  	[sflag:s23] =	ssyncset.done $0x0  }
0xa4: {  	s25 =	simm.s32 $0x1B8E;
	s24 =	sld [smem:$0x3FFE];
	[sflag:s23] =	ssyncadd.s32 $0xFFFFFFFF  }
0xa5: {  	s26 =	simm.s32 $execute0_lowered;
	[smem:$0x3FD2] =	sst s25  }
0xa6: {  	s5 =	sshll.u32 s26, $0x1;
	_ =	strace $0x80000046;
	[dreg:$0x1] =	wrdreg $0xFFFFFFFF  }
0xa7: {  	s28 =	simm.s32 $_size_execute0_lowered;
	s3 =	sadd.s32 s3, s5;
	[dreg:$0x0] =	wrdreg $0x0  }
0xa8: {  	s5 =	sshll.u32 s28, $0x1;
	[dreg:$0x2] =	wrdreg s3  }
0xa9: {  	[dreg:$0x3] =	wrdreg s5  }
0xaa: {  	[dreg:$0x4] =	wrdreg $0xC0  }
0xab: {  	_ =	task [dreg:s7], $0x5FFFF  }
0xac: {  	[dreg:$0x1] =	wrdreg $0xFFFFFFFF  }
0xad: {  	[dreg:$0x0] =	wrdreg $0x60  }
0xae: {  	[dreg:$0x2] =	wrdreg s2  }
0xaf: {  	[dreg:$0x3] =	wrdreg s24  }
0xb0: {  	[dreg:$0x4] =	wrdreg $0x9  }
0xb1: {  	_ =	task.clear_ibuf [dreg:s7], $0x5FFFF;
	_ =	strace $0x90000046  }
0xb2: {  	s29 =	simm.s32 $0x9;
	_ =	strace $0x80000048  }
0xb3: {  	_ =	swait.ge [sflag:s29], $0x1  }
0xb4: {  	[sflag:s29] =	ssyncadd.s32 $0xFFFFFFFF  }
0xb5: {  	_ =	strace $0x90000048  }
0xb6: {  	_ =	sfence  }
0xb7: {  	s30 =	sld [smem:$0x0];
	_ =	sdelay $0x2  }
0xb8: {  	s31 =	sshll.u32 s1, $0xD;
	s1 =	sshrl.u32 s1, $0x2  }
0xb9: {  	s3 =	sand.u32 $0x4000, s31;
	s1 =	sadd.s32 s1, s30  }
0xba: {  	s0 =	sor.u32 s3, s0;
	s1 =	sshll.u32 s1, $0x11  }
0xbb: {  	s0 =	sor.u32 s1, s0  }
0xbc: {  	s0 =	sadd.s32 $0x8F2B, s0  }
0xbd: {  	[sflag:s0] =	ssyncadd.remote.s32 $0x1  }
0xbe: {  	_ =	sfence.sel $0xFFFF  }
0xbf: {  	[dreg:$0x0] =	wrdreg $0xFFFFFFFF;
	(pc) =	sbr.abs _section_cstart, $3  }
0xc0: {  	[dreg:$0x1] =	wrdreg $0xFFFFFFFF  }
0xc1: {  	_ =	task.clear_ibuf [dreg:s7], $0x2FFFF;
	_ =	strace $0x9FFFFFFF  }
0xc2: {  	(tm) =	ssettm $0x7FFFFFFF  }
0xc3: {  	_ =	shalt  }
tec
execute0_lowered:
.L_overlay_start_1:
0x0: {  	(tag) =	ssettag $0x1  }
0x1: {  	s4 =	rddreg [dreg:$0x0]  }
0x2: {  	s5 =	rddreg [dreg:$0x1]  }
0x3: {  	s0 =	rddreg [dreg:$0x2];
	s2 =	simm.s32 $0x0;
	s3 =	srdreg.scid  }
0x4: {  	s1 =	stileid.u32;
	s9 =	simm.s32 $0x6400;
	s10 =	simm.s32 $0x7000  }
0x5: {  	s11 =	simm.s32 $0x8;
	s12 =	simm.s32 $0xC0;
	s13 =	simm.s32 $0x7C00  }
0x6: {  	s14 =	simm.s32 $0x7D00;
	s15 =	simm.s32 $0x8900;
	s16 =	simm.s32 $0x9500  }
0x7: {  	s17 =	simm.s32 $0x1;
	s18 =	simm.s32 $0x2;
	s19 =	simm.s32 $0x9600  }
0x8: {  	[smem:$0x7FF] =	sst s2;
	s3 =	sand.u32 $0x1, s3;
	s6 =	sshll.u32 s1, $0x1  }
0x9: {  	s20 =	simm.s32 $0x0;
	_ =	strace $0x80000047;
	s6 =	sor.u32 s3, s6  }
0xa: {  	s8 =	ssub.s32 $0x2, s3;
	s7 =	sshll.u32 s6, $0xA;
	s6 =	smul.u32 $0xC80, s6  }
0xb: {  	s3 =	sadd.s32 $0xA00, s5;
	s31 =	sshrl.u32 s8, $0x1;
	s5 =	sadd.s32 s7, s5  }
0xc: {  	s7 =	ssub.s32 s8, s31;
	s8 =	simm.s32 $0x60;
	s4 =	sadd.s32 s4, s6  }
0xd: {  	s5 =	sadd.s32 $0x3E0A00, s5;
	s6 =	smax.u32 s7, $0x1;
	s7 =	simm.s32 $0x3  }
.LBB2_1:
0xe: {  	[tilespmem:s2], [sflag:$0x3] =	stream.linear.gather [hbm4b:s4+s2], $0x6400, $0x38;
	[tilespmem:$0xB600] =	vst v63  }
0xf: {  	_ =	swait.ge [sflag:s7], $0x6400  }
0x10: {  	[sflag:s7] =	ssyncset.done $0x0  }
0x11: {  	[sflag:s7] =	ssyncadd.s32 $0xFFFF9C00  }
0x12: {  	[tilespmem:s9], [sflag:$0x1] =	stream.indirect.gather [hbm4b:s3+s8], $0x20, s2, s8, $0xb8;
	[tilespmem:$0xB600] =	vst v63  }
0x13: {  	_ = 	snop  }
0x14: {  	[tilespmem:s10], [sflag:$0x1] =	stream.indirect.gather [hbm4b:s3+s8], $0x20, s8, s8, $0xb8;
	[tilespmem:$0xB600] =	vst v63  }
0x15: {  	s21 =	simm.s32 $0x0  }
0x16: {  	[tilespmem:s13], [sflag:$0x1] =	stream.indirect.gather [hbm4b:s3+s11], $0x20, s12, s11, $0xb8;
	[tilespmem:$0xB600] =	vst v63  }
.LBB2_2:
0x17: {  	s22 =	sshllo.u32 s21, $0x1  }
0x18: {  	s23 =	smul.u32 $0x320, s22;
	_ =	sdelay $0x1  }
0x19: {  	s23 =	sshra.s32 s23, $0x2  }
0x1a: {  	[tilespmem:s14], [sflag:$0x2] =	stream.indirect.gather [hbm4b:s3+s8], $0x20, s23, s8, $0xb8;
	[tilespmem:$0xB600] =	vst v63  }
0x1b: {  	s24 =	sadd.s32 $0x60, s23  }
0x1c: {  	[tilespmem:s15], [sflag:$0x2] =	stream.indirect.gather [hbm4b:s3+s8], $0x20, s24, s8, $0xb8;
	[tilespmem:$0xB600] =	vst v63  }
0x1d: {  	s23 =	sadd.s32 $0xC0, s23  }
0x1e: {  	[tilespmem:s16], [sflag:$0x2] =	stream.indirect.gather [hbm4b:s3+s11], $0x20, s23, s11, $0xb8;
	[tilespmem:$0xB600] =	vst v63  }
0x1f: {  	_ =	swait.ge [sflag:s17], $0xC00  }
0x20: {  	[sflag:s17] =	ssyncset.done $0x0  }
0x21: {  	[sflag:s17] =	ssyncadd.s32 $0xFFFFF400  }
0x22: {  	_ =	swait.ge [sflag:s17], $0xC00  }
0x23: {  	[sflag:s17] =	ssyncset.done $0x0  }
0x24: {  	[sflag:s17] =	ssyncadd.s32 $0xFFFFF400  }
0x25: {  	_ =	swait.ge [sflag:s17], $0x100  }
0x26: {  	[sflag:s17] =	ssyncset.done $0x0  }
0x27: {  	s24 =	simm.s32 $0x0;
	[sflag:s17] =	ssyncadd.s32 $0xFFFFFF00  }
0x28: {  	v0 =	vld [tilespmem:s24+$0x6420]  }
0x29: {  	v2 =	vld [tilespmem:s24+$0x6400]  }
0x2a: {  	v3 =	vld [tilespmem:s24+$0x6410];
	_ =	sdelay $0x1  }
0x2b: {  	v4 =	vld [tilespmem:s24+$0x6430]  }
0x2c: {  	s23 =	simm.s32 $0x40  }
0x2d: {  	v5 =	vimm.f32 $0.0e+00;
	v1 =	vld [tilespmem:s23+$0x6420];
	v10 =	vunpack.i.u.bf16.f32 v0;
	v11 =	vunpack.i.l.bf16.f32 v0  }
0x2e: {  	v0 =	vunpack.i.u.bf16.f32 v2;
	v6 =	vunpack.i.l.bf16.f32 v2;
	v7 =	vunpack.i.u.bf16.f32 v3;
	v2 =	vld [tilespmem:s23+$0x6400]  }
0x2f: {  	v8 =	vunpack.i.l.bf16.f32 v3;
	v3 =	vld [tilespmem:s23+$0x6410];
	v12 =	vadd.f32 v6, v5;
	v13 =	vadd.f32 v0, v5  }
0x30: {  	v9 =	vunpack.i.l.bf16.f32 v4;
	v6 =	vadd.f32 v8, v5;
	v7 =	vadd.f32 v7, v5  }
0x31: {  	s25 =	simm.s32 $0x200;
	v8 =	vunpack.i.u.bf16.f32 v4;
	v0 =	vld [tilespmem:s23+$0x6430];
	v5 =	vadd.f32 v11, v12;
	v4 =	vadd.f32 v10, v13  }
.LBB2_3:
0x32: {  	s26 =	sshra.s32 s25, $0x2;
	v6 =	vadd.f32 v9, v6;
	v7 =	vadd.f32 v8, v7;
	p0 =	sne.s32 s25, $0x2F00  }
.Ltmp0:
0x33: {  	v10 =	vunpack.i.u.bf16.f32 v1;
	v11 =	vunpack.i.l.bf16.f32 v1;
	v1 =	vld [tilespmem:s26+$0x6420];
	(pc) =	sbr.rel @p0 .LBB2_3-.Ltmp0, $4  }
0x34: {  	v8 =	vunpack.i.u.bf16.f32 v2;
	v9 =	vunpack.i.l.bf16.f32 v2;
	v2 =	vld [tilespmem:s26+$0x6400];
	v12 =	vunpack.i.u.bf16.f32 v3  }
0x35: {  	s25 =	sadd.s32 $0x100, s25;
	v13 =	vunpack.i.l.bf16.f32 v3;
	v5 =	vadd.f32 v9, v5;
	v4 =	vadd.f32 v8, v4;
	v3 =	vld [tilespmem:s26+$0x6410]  }
0x36: {  	v6 =	vadd.f32 v13, v6;
	v7 =	vadd.f32 v12, v7;
	v8 =	vunpack.i.u.bf16.f32 v0  }
0x37: {  	v9 =	vunpack.i.l.bf16.f32 v0;
	v5 =	vadd.f32 v11, v5;
	v4 =	vadd.f32 v10, v4;
	v0 =	vld [tilespmem:s26+$0x6430]  }
0x38: {  	v6 =	vadd.f32 v9, v6  }
0x39: {  	v7 =	vadd.f32 v8, v7;
	v8 =	vld [tilespmem:s24+$0x7020];
	v9 =	vunpack.i.u.bf16.f32 v1;
	v1 =	vunpack.i.l.bf16.f32 v1  }
0x3a: {  	v11 =	vld [tilespmem:s24+$0x7000];
	v10 =	vunpack.i.l.bf16.f32 v2;
	v2 =	vunpack.i.u.bf16.f32 v2;
	v12 =	vunpack.i.l.bf16.f32 v3  }
0x3b: {  	v5 =	vadd.f32 v10, v5;
	v10 =	vld [tilespmem:s24+$0x7010];
	v3 =	vunpack.i.u.bf16.f32 v3;
	v2 =	vadd.f32 v2, v4  }
0x3c: {  	v4 =	vadd.f32 v12, v6;
	v3 =	vadd.f32 v3, v7;
	v6 =	vunpack.i.l.bf16.f32 v0  }
0x3d: {  	v1 =	vadd.f32 v1, v5;
	v0 =	vunpack.i.u.bf16.f32 v0;
	v7 =	vadd.f32 v9, v2  }
0x3e: {  	v5 =	vld [tilespmem:s24+$0x7030];
	v4 =	vadd.f32 v6, v4;
	v9 =	vadd.f32 v0, v3;
	v63 =	vunpack.i.u.bf16.f32 v8  }
0x3f: {  	v2 =	vld [tilespmem:s23+$0x7000];
	v13 =	vunpack.i.l.bf16.f32 v8;
	v3 =	vunpack.i.u.bf16.f32 v11;
	v6 =	vunpack.i.l.bf16.f32 v11  }
0x40: {  	v0 =	vld [tilespmem:s23+$0x7020];
	v14 =	vadd.f32 v3, v7;
	v8 =	vunpack.i.u.bf16.f32 v10;
	v10 =	vunpack.i.l.bf16.f32 v10  }
0x41: {  	v11 =	vadd.f32 v6, v1;
	v3 =	vld [tilespmem:s23+$0x7010];
	v6 =	vadd.f32 v10, v4  }
0x42: {  	v7 =	vadd.f32 v8, v9;
	v4 =	vadd.f32 v63, v14  }
0x43: {  	s24 =	simm.s32 $0x200;
	v1 =	vld [tilespmem:s23+$0x7030];
	v8 =	vunpack.i.u.bf16.f32 v5;
	v9 =	vunpack.i.l.bf16.f32 v5;
	v5 =	vadd.f32 v13, v11  }
.LBB2_5:
0x44: {  	s23 =	sshra.s32 s24, $0x2;
	v6 =	vadd.f32 v9, v6;
	v7 =	vadd.f32 v8, v7;
	p0 =	sne.s32 s24, $0x2F00  }
.Ltmp1:
0x45: {  	v10 =	vunpack.i.u.bf16.f32 v0;
	v11 =	vunpack.i.l.bf16.f32 v0;
	v0 =	vld [tilespmem:s23+$0x7020];
	(pc) =	sbr.rel @p0 .LBB2_5-.Ltmp1, $4  }
0x46: {  	v8 =	vunpack.i.u.bf16.f32 v2;
	v9 =	vunpack.i.l.bf16.f32 v2;
	v2 =	vld [tilespmem:s23+$0x7000];
	v12 =	vunpack.i.u.bf16.f32 v3  }
0x47: {  	s24 =	sadd.s32 $0x100, s24;
	v13 =	vunpack.i.l.bf16.f32 v3;
	v5 =	vadd.f32 v9, v5;
	v4 =	vadd.f32 v8, v4;
	v3 =	vld [tilespmem:s23+$0x7010]  }
0x48: {  	v6 =	vadd.f32 v13, v6;
	v7 =	vadd.f32 v12, v7;
	v8 =	vunpack.i.u.bf16.f32 v1  }
0x49: {  	v9 =	vunpack.i.l.bf16.f32 v1;
	v5 =	vadd.f32 v11, v5;
	v4 =	vadd.f32 v10, v4;
	v1 =	vld [tilespmem:s23+$0x7030]  }
0x4a: {  	v6 =	vadd.f32 v9, v6  }
0x4b: {  	v7 =	vadd.f32 v8, v7;
	v8 =	vunpack.i.u.bf16.f32 v0;
	v10 =	vld [tilespmem:$0x7C00];
	v9 =	vunpack.i.l.bf16.f32 v2  }
0x4c: {  	v0 =	vunpack.i.l.bf16.f32 v0;
	v2 =	vunpack.i.u.bf16.f32 v2;
	v5 =	vadd.f32 v9, v5  }
0x4d: {  	v9 =	vld [tilespmem:$0x7C10];
	v11 =	vunpack.i.u.bf16.f32 v3;
	v3 =	vunpack.i.l.bf16.f32 v3;
	v2 =	vadd.f32 v2, v4  }
0x4e: {  	v3 =	vadd.f32 v3, v6;
	v4 =	vadd.f32 v11, v7;
	v7 =	vld [tilespmem:$0x7C20];
	v6 =	vunpack.i.u.bf16.f32 v1  }
0x4f: {  	v1 =	vunpack.i.l.bf16.f32 v1;
	v0 =	vadd.f32 v0, v5;
	v2 =	vadd.f32 v8, v2;
	v5 =	vld [tilespmem:$0x7C30]  }
0x50: {  	v1 =	vadd.f32 v1, v3;
	v3 =	vadd.f32 v6, v4;
	v6 =	vunpack.i.l.bf16.f32 v10  }
0x51: {  	v4 =	vunpack.i.u.bf16.f32 v10;
	v10 =	vld [tilespmem:$0x7C40];
	v0 =	vadd.f32 v6, v0  }
0x52: {  	v2 =	vadd.f32 v4, v2;
	v4 =	vld [tilespmem:$0x7C50];
	v8 =	vunpack.i.u.bf16.f32 v9;
	v9 =	vunpack.i.l.bf16.f32 v9  }
0x53: {  	v1 =	vadd.f32 v9, v1;
	v3 =	vadd.f32 v8, v3  }
0x54: {  	v6 =	vunpack.i.u.bf16.f32 v7;
	v7 =	vunpack.i.l.bf16.f32 v7;
	v9 =	vld [tilespmem:$0x7C60];
	v8 =	vunpack.i.u.bf16.f32 v5  }
0x55: {  	v5 =	vunpack.i.l.bf16.f32 v5;
	v0 =	vadd.f32 v7, v0;
	v2 =	vadd.f32 v6, v2;
	v6 =	vld [tilespmem:$0x7C70]  }
0x56: {  	v1 =	vadd.f32 v5, v1;
	v3 =	vadd.f32 v8, v3  }
0x57: {  	v5 =	vunpack.i.u.bf16.f32 v10;
	v7 =	vunpack.i.l.bf16.f32 v10;
	v10 =	vld [tilespmem:$0x7C80];
	v8 =	vunpack.i.u.bf16.f32 v4  }
0x58: {  	v4 =	vunpack.i.l.bf16.f32 v4;
	v0 =	vadd.f32 v7, v0;
	v2 =	vadd.f32 v5, v2;
	v5 =	vld [tilespmem:$0x7C90]  }
0x59: {  	v1 =	vadd.f32 v4, v1;
	v3 =	vadd.f32 v8, v3  }
0x5a: {  	v4 =	vunpack.i.u.bf16.f32 v9;
	v7 =	vunpack.i.l.bf16.f32 v9;
	v9 =	vld [tilespmem:$0x7CA0];
	v8 =	vunpack.i.u.bf16.f32 v6  }
0x5b: {  	v6 =	vunpack.i.l.bf16.f32 v6;
	v0 =	vadd.f32 v7, v0;
	v2 =	vadd.f32 v4, v2;
	v4 =	vld [tilespmem:$0x7CB0]  }
0x5c: {  	v1 =	vadd.f32 v6, v1;
	v3 =	vadd.f32 v8, v3  }
0x5d: {  	v6 =	vunpack.i.u.bf16.f32 v10;
	v7 =	vunpack.i.l.bf16.f32 v10;
	v10 =	vld [tilespmem:$0x7CC0];
	v8 =	vunpack.i.u.bf16.f32 v5  }
0x5e: {  	v5 =	vunpack.i.l.bf16.f32 v5;
	v0 =	vadd.f32 v7, v0;
	v2 =	vadd.f32 v6, v2;
	v6 =	vld [tilespmem:$0x7CD0]  }
0x5f: {  	v1 =	vadd.f32 v5, v1;
	v3 =	vadd.f32 v8, v3;
	v5 =	vld [tilespmem:$0x7CE0]  }
0x60: {  	v7 =	vunpack.i.u.bf16.f32 v9;
	v8 =	vunpack.i.l.bf16.f32 v9;
	v9 =	vunpack.i.u.bf16.f32 v4  }
0x61: {  	v4 =	vunpack.i.l.bf16.f32 v4;
	v0 =	vadd.f32 v8, v0;
	v2 =	vadd.f32 v7, v2;
	v7 =	vld [tilespmem:$0x7CF0]  }
0x62: {  	v1 =	vadd.f32 v4, v1;
	v3 =	vadd.f32 v9, v3;
	v4 =	vunpack.i.l.bf16.f32 v10  }
0x63: {  	v8 =	vunpack.i.u.bf16.f32 v10;
	v9 =	vunpack.i.u.bf16.f32 v6;
	v0 =	vadd.f32 v4, v0  }
0x64: {  	v4 =	vunpack.i.l.bf16.f32 v6;
	v2 =	vadd.f32 v8, v2;
	v6 =	vunpack.i.l.bf16.f32 v5  }
0x65: {  	s23 =	sshll.u32 s21, $0x7;
	v1 =	vadd.f32 v4, v1;
	v4 =	vunpack.i.u.bf16.f32 v5;
	v0 =	vadd.f32 v6, v0  }
0x66: {  	p0 =	seq.s32 s21, $0x3F;
	s23 =	sand.u32 $0x3FFFFF80, s23;
	v3 =	vadd.f32 v9, v3;
	v2 =	vadd.f32 v4, v2;
	v5 =	vunpack.i.l.bf16.f32 v7  }
0x67: {  	s24 =	smul.u32 @!p0 $0x640, s21;
	v4 =	vunpack.i.u.bf16.f32 v7;
	v1 =	vadd.f32 v5, v1;
	[tilespmem:s23+$0x9600] =	vst v0  }
0x68: {  	v0 =	vadd.f32 v4, v3;
	[tilespmem:s23+$0x9610] =	vst v2  }
0x69: {  	s24 =	sshra.s32 @!p0 s24, $0x2;
	[tilespmem:s23+$0x9620] =	vst v1  }
0x6a: {  	s25 =	simm.s32 @!p0 $0x60;
	s26 =	simm.s32 @!p0 $0x6400;
	[tilespmem:s23+$0x9630] =	vst v0;
	s23 =	sadd.s32 @!p0 $0x190, s24  }
0x6b: {  	[tilespmem:s26], [sflag:$0x1] =	stream.indirect.gather @!p0 [hbm4b:s3+s25], $0x20, s23, s25, $0xb8;
	[tilespmem:$0xB600] =	vst v63  }
0x6c: {  	s23 =	sadd.s32 @!p0 $0x1F0, s24;
	s26 =	simm.s32 @!p0 $0x7000  }
0x6d: {  	[tilespmem:s26], [sflag:$0x1] =	stream.indirect.gather @!p0 [hbm4b:s3+s25], $0x20, s23, s25, $0xb8;
	[tilespmem:$0xB600] =	vst v63  }
0x6e: {  	s23 =	sadd.s32 @!p0 $0x250, s24;
	s24 =	simm.s32 @!p0 $0x8;
	s25 =	simm.s32 @!p0 $0x7C00  }
0x6f: {  	[tilespmem:s25], [sflag:$0x1] =	stream.indirect.gather @!p0 [hbm4b:s3+s24], $0x20, s23, s24, $0xb8;
	[tilespmem:$0xB600] =	vst v63  }
0x70: {  	_ =	swait.ge [sflag:s18], $0xC00  }
0x71: {  	[sflag:s18] =	ssyncset.done $0x0  }
0x72: {  	[sflag:s18] =	ssyncadd.s32 $0xFFFFF400  }
0x73: {  	_ =	swait.ge [sflag:s18], $0xC00  }
0x74: {  	[sflag:s18] =	ssyncset.done $0x0  }
0x75: {  	[sflag:s18] =	ssyncadd.s32 $0xFFFFF400  }
0x76: {  	_ =	swait.ge [sflag:s18], $0x100  }
0x77: {  	[sflag:s18] =	ssyncset.done $0x0  }
0x78: {  	s24 =	simm.s32 $0x0;
	[sflag:s18] =	ssyncadd.s32 $0xFFFFFF00  }
0x79: {  	v0 =	vld [tilespmem:s24+$0x7D20]  }
0x7a: {  	v2 =	vld [tilespmem:s24+$0x7D00]  }
0x7b: {  	v3 =	vld [tilespmem:s24+$0x7D10];
	_ =	sdelay $0x1  }
0x7c: {  	v4 =	vld [tilespmem:s24+$0x7D30]  }
0x7d: {  	s23 =	simm.s32 $0x40  }
0x7e: {  	v5 =	vimm.f32 $0.0e+00;
	v1 =	vld [tilespmem:s23+$0x7D20];
	v10 =	vunpack.i.u.bf16.f32 v0;
	v11 =	vunpack.i.l.bf16.f32 v0  }
0x7f: {  	v0 =	vunpack.i.u.bf16.f32 v2;
	v6 =	vunpack.i.l.bf16.f32 v2;
	v7 =	vunpack.i.u.bf16.f32 v3;
	v2 =	vld [tilespmem:s23+$0x7D00]  }
0x80: {  	v8 =	vunpack.i.l.bf16.f32 v3;
	v3 =	vld [tilespmem:s23+$0x7D10];
	v12 =	vadd.f32 v6, v5;
	v13 =	vadd.f32 v0, v5  }
0x81: {  	v9 =	vunpack.i.l.bf16.f32 v4;
	v6 =	vadd.f32 v8, v5;
	v7 =	vadd.f32 v7, v5  }
0x82: {  	s25 =	simm.s32 $0x200;
	v8 =	vunpack.i.u.bf16.f32 v4;
	v0 =	vld [tilespmem:s23+$0x7D30];
	v5 =	vadd.f32 v11, v12;
	v4 =	vadd.f32 v10, v13  }
.LBB2_7:
0x83: {  	s26 =	sshra.s32 s25, $0x2;
	v6 =	vadd.f32 v9, v6;
	v7 =	vadd.f32 v8, v7;
	p0 =	sne.s32 s25, $0x2F00  }
.Ltmp2:
0x84: {  	v10 =	vunpack.i.u.bf16.f32 v1;
	v11 =	vunpack.i.l.bf16.f32 v1;
	v1 =	vld [tilespmem:s26+$0x7D20];
	(pc) =	sbr.rel @p0 .LBB2_7-.Ltmp2, $4  }
0x85: {  	v8 =	vunpack.i.u.bf16.f32 v2;
	v9 =	vunpack.i.l.bf16.f32 v2;
	v2 =	vld [tilespmem:s26+$0x7D00];
	v12 =	vunpack.i.u.bf16.f32 v3  }
0x86: {  	s25 =	sadd.s32 $0x100, s25;
	v13 =	vunpack.i.l.bf16.f32 v3;
	v5 =	vadd.f32 v9, v5;
	v4 =	vadd.f32 v8, v4;
	v3 =	vld [tilespmem:s26+$0x7D10]  }
0x87: {  	v6 =	vadd.f32 v13, v6;
	v7 =	vadd.f32 v12, v7;
	v8 =	vunpack.i.u.bf16.f32 v0  }
0x88: {  	v9 =	vunpack.i.l.bf16.f32 v0;
	v5 =	vadd.f32 v11, v5;
	v4 =	vadd.f32 v10, v4;
	v0 =	vld [tilespmem:s26+$0x7D30]  }
0x89: {  	v6 =	vadd.f32 v9, v6  }
0x8a: {  	v7 =	vadd.f32 v8, v7;
	v8 =	vld [tilespmem:s24+$0x8920];
	v9 =	vunpack.i.u.bf16.f32 v1;
	v1 =	vunpack.i.l.bf16.f32 v1  }
0x8b: {  	v11 =	vld [tilespmem:s24+$0x8900];
	v10 =	vunpack.i.l.bf16.f32 v2;
	v2 =	vunpack.i.u.bf16.f32 v2;
	v12 =	vunpack.i.l.bf16.f32 v3  }
0x8c: {  	v5 =	vadd.f32 v10, v5;
	v10 =	vld [tilespmem:s24+$0x8910];
	v3 =	vunpack.i.u.bf16.f32 v3;
	v2 =	vadd.f32 v2, v4  }
0x8d: {  	v4 =	vadd.f32 v12, v6;
	v3 =	vadd.f32 v3, v7;
	v6 =	vunpack.i.l.bf16.f32 v0  }
0x8e: {  	v1 =	vadd.f32 v1, v5;
	v0 =	vunpack.i.u.bf16.f32 v0;
	v2 =	vadd.f32 v9, v2  }
0x8f: {  	v5 =	vld [tilespmem:s24+$0x8930];
	v4 =	vadd.f32 v6, v4;
	v7 =	vadd.f32 v0, v3;
	v63 =	vunpack.i.u.bf16.f32 v8  }
0x90: {  	v13 =	vunpack.i.l.bf16.f32 v8;
	v0 =	vld [tilespmem:s23+$0x8920];
	v6 =	vunpack.i.u.bf16.f32 v11;
	v8 =	vunpack.i.l.bf16.f32 v11  }
0x91: {  	v3 =	vld [tilespmem:s23+$0x8900];
	v14 =	vadd.f32 v6, v2;
	v9 =	vunpack.i.u.bf16.f32 v10;
	v10 =	vunpack.i.l.bf16.f32 v10  }
0x92: {  	v11 =	vadd.f32 v8, v1;
	v1 =	vld [tilespmem:s23+$0x8910];
	v6 =	vadd.f32 v10, v4  }
0x93: {  	v7 =	vadd.f32 v9, v7;
	v4 =	vadd.f32 v63, v14  }
0x94: {  	s24 =	simm.s32 $0x200;
	v2 =	vld [tilespmem:s23+$0x8930];
	v8 =	vunpack.i.u.bf16.f32 v5;
	v9 =	vunpack.i.l.bf16.f32 v5;
	v5 =	vadd.f32 v13, v11  }
.LBB2_9:
0x95: {  	s23 =	sshra.s32 s24, $0x2;
	v6 =	vadd.f32 v9, v6;
	v7 =	vadd.f32 v8, v7;
	p0 =	sne.s32 s24, $0x2F00  }
.Ltmp3:
0x96: {  	v10 =	vunpack.i.u.bf16.f32 v0;
	v11 =	vunpack.i.l.bf16.f32 v0;
	v0 =	vld [tilespmem:s23+$0x8920];
	(pc) =	sbr.rel @p0 .LBB2_9-.Ltmp3, $4  }
0x97: {  	v8 =	vunpack.i.u.bf16.f32 v3;
	v9 =	vunpack.i.l.bf16.f32 v3;
	v3 =	vld [tilespmem:s23+$0x8900];
	v12 =	vunpack.i.u.bf16.f32 v1  }
0x98: {  	s24 =	sadd.s32 $0x100, s24;
	v13 =	vunpack.i.l.bf16.f32 v1;
	v5 =	vadd.f32 v9, v5;
	v4 =	vadd.f32 v8, v4;
	v1 =	vld [tilespmem:s23+$0x8910]  }
0x99: {  	v6 =	vadd.f32 v13, v6;
	v7 =	vadd.f32 v12, v7;
	v8 =	vunpack.i.u.bf16.f32 v2  }
0x9a: {  	v9 =	vunpack.i.l.bf16.f32 v2;
	v5 =	vadd.f32 v11, v5;
	v4 =	vadd.f32 v10, v4;
	v2 =	vld [tilespmem:s23+$0x8930]  }
0x9b: {  	v10 =	vld [tilespmem:$0x9500]  }
0x9c: {  	v6 =	vadd.f32 v9, v6;
	v18 =	vld [tilespmem:$0x9510]  }
0x9d: {  	v7 =	vadd.f32 v8, v7;
	v14 =	vunpack.i.u.bf16.f32 v0;
	v22 =	vld [tilespmem:$0x9520];
	v15 =	vunpack.i.l.bf16.f32 v3  }
0x9e: {  	v16 =	vunpack.i.l.bf16.f32 v0;
	v24 =	vld [tilespmem:$0x9530];
	v17 =	vunpack.i.u.bf16.f32 v3;
	v5 =	vadd.f32 v15, v5  }
0x9f: {  	v29 =	vld [tilespmem:$0x9540];
	v3 =	vadd.f32 v17, v4;
	v19 =	vunpack.i.u.bf16.f32 v1;
	v20 =	vunpack.i.l.bf16.f32 v1  }
0xa0: {  	v30 =	vld [tilespmem:$0x9550];
	v1 =	vadd.f32 v20, v6;
	v4 =	vadd.f32 v19, v7;
	v21 =	vunpack.i.u.bf16.f32 v2  }
0xa1: {  	v33 =	vld [tilespmem:$0x9560];
	v23 =	vunpack.i.l.bf16.f32 v2;
	v0 =	vadd.f32 v16, v5;
	v3 =	vadd.f32 v14, v3  }
0xa2: {  	v34 =	vld [tilespmem:$0x9570];
	v1 =	vadd.f32 v23, v1;
	v25 =	vadd.f32 v21, v4;
	v26 =	vunpack.i.u.bf16.f32 v10  }
0xa3: {  	v38 =	vld [tilespmem:$0x9580];
	v27 =	vunpack.i.l.bf16.f32 v10;
	v28 =	vunpack.i.u.bf16.f32 v18;
	v9 =	vunpack.i.l.bf16.f32 v18  }
0xa4: {  	v31 =	vunpack.i.u.bf16.f32 v22;
	v7 =	vunpack.i.l.bf16.f32 v22;
	v32 =	vunpack.i.u.bf16.f32 v24  }
0xa5: {  	v39 =	vld [tilespmem:$0x9590];
	v5 =	vunpack.i.l.bf16.f32 v24;
	v35 =	vunpack.i.u.bf16.f32 v29;
	v36 =	vunpack.i.l.bf16.f32 v29  }
0xa6: {  	v43 =	vld [tilespmem:$0x95A0];
	v37 =	vunpack.i.u.bf16.f32 v30;
	v4 =	vunpack.i.l.bf16.f32 v30;
	v40 =	vunpack.i.u.bf16.f32 v33  }
0xa7: {  	v41 =	vunpack.i.l.bf16.f32 v33;
	v42 =	vunpack.i.u.bf16.f32 v34;
	v0 =	vadd.f32 v27, v0  }
0xa8: {  	v44 =	vld [tilespmem:$0x95B0];
	v6 =	vunpack.i.l.bf16.f32 v34;
	v45 =	vunpack.i.u.bf16.f32 v38;
	v3 =	vadd.f32 v26, v3  }
0xa9: {  	v48 =	vld [tilespmem:$0x95C0];
	v46 =	vunpack.i.l.bf16.f32 v38;
	v1 =	vadd.f32 v9, v1;
	v0 =	vadd.f32 v7, v0  }
0xaa: {  	v47 =	vunpack.i.u.bf16.f32 v39;
	v2 =	vadd.f32 v28, v25;
	v3 =	vadd.f32 v31, v3  }
0xab: {  	v51 =	vunpack.i.u.bf16.f32 v43;
	v1 =	vadd.f32 v5, v1;
	v0 =	vadd.f32 v36, v0  }
0xac: {  	v49 =	vld [tilespmem:$0x95D0];
	v52 =	vunpack.i.l.bf16.f32 v43;
	v2 =	vadd.f32 v32, v2;
	v3 =	vadd.f32 v35, v3  }
0xad: {  	v53 =	vunpack.i.u.bf16.f32 v44;
	v1 =	vadd.f32 v4, v1;
	v0 =	vadd.f32 v41, v0  }
0xae: {  	v55 =	vunpack.i.l.bf16.f32 v48;
	v2 =	vadd.f32 v37, v2;
	v3 =	vadd.f32 v40, v3  }
0xaf: {  	v50 =	vld [tilespmem:$0x95E0];
	v56 =	vunpack.i.u.bf16.f32 v48;
	v1 =	vadd.f32 v6, v1;
	v0 =	vadd.f32 v46, v0  }
0xb0: {  	v5 =	vunpack.i.l.bf16.f32 v39;
	v2 =	vadd.f32 v42, v2;
	v3 =	vadd.f32 v45, v3  }
0xb1: {  	v54 =	vld [tilespmem:$0x95F0];
	v57 =	vunpack.i.u.bf16.f32 v49;
	v1 =	vadd.f32 v5, v1;
	v0 =	vadd.f32 v52, v0  }
0xb2: {  	v4 =	vunpack.i.l.bf16.f32 v44;
	v2 =	vadd.f32 v47, v2;
	v3 =	vadd.f32 v51, v3  }
0xb3: {  	v58 =	vunpack.i.l.bf16.f32 v49;
	v1 =	vadd.f32 v4, v1;
	v0 =	vadd.f32 v55, v0  }
0xb4: {  	s21 =	sadd.s32 $0x1, s21;
	v59 =	vunpack.i.l.bf16.f32 v50;
	v2 =	vadd.f32 v53, v2;
	v3 =	vadd.f32 v56, v3  }
0xb5: {  	s22 =	sshll.u32 s22, $0x6;
	p0 =	sne.s32 s21, $0x40;
	v60 =	vunpack.i.u.bf16.f32 v50;
	v1 =	vadd.f32 v58, v1;
	v0 =	vadd.f32 v59, v0  }
.Ltmp4:
0xb6: {  	s22 =	sand.u32 $0x3FFFFFC0, s22;
	v61 =	vunpack.i.l.bf16.f32 v54;
	v2 =	vadd.f32 v57, v2;
	v3 =	vadd.f32 v60, v3;
	(pc) =	sbr.rel @p0 .LBB2_2-.Ltmp4, $4  }
0xb7: {  	v62 =	vunpack.i.u.bf16.f32 v54;
	v1 =	vadd.f32 v61, v1;
	[tilespmem:s22+$0x9600] =	vst v0  }
0xb8: {  	v63 =	vadd.f32 v62, v2;
	[tilespmem:s22+$0x9610] =	vst v3  }
0xb9: {  	[tilespmem:s22+$0x9620] =	vst v1  }
0xba: {  	[tilespmem:s22+$0x9630] =	vst v63  }
0xbb: {  	s20 =	sadd.s32 $0x1, s20  }
0xbc: {  	p0 =	sne.s32 s20, s6  }
.Ltmp5:
0xbd: {  	_ = 	snop;
	(pc) =	sbr.rel @p0 .LBB2_1-.Ltmp5, $4  }
0xbe: {  	[hbm4b:s5+s2] =	stream.linear.scatter [tilespmem:s19], [sflag:$0x3], $0x2000, $0x38;
	[tilespmem:$0xB600] =	vst v63  }
0xbf: {  	_ =	swait.ge [sflag:s7], $0x2000  }
0xc0: {  	[sflag:s7] =	ssyncset.done $0x0  }
0xc1: {  	[sflag:s7] =	ssyncadd.s32 $0xFFFFE000  }
0xc2: {  	_ =	sfence.sel $0x180000  }
0xc3: {  	[bflag:$0x0] =	sbarrier.arrive $0xFFFF  }
0xc4: {  	p0 =	sne.s32 s1, $0x0;
	_ =	strace $0x90000047  }
0xc5: {  	s0 =	sadd.s32 @!p0 $0x100000, s0;
	[bflag:$0x2] =	sbarrier.arrive $0xFFFF  }
0xc6: {  	[sflag:s0] =	ssyncadd.tile.s32 @!p0 $0x1;
	_ =	shalt  }
.Lfunc_end2:
_tile_overlayer_lowered:
.L_overlay_start_2:
0xc7: {  	(tag) =	ssettag $0x2  }
0xc8: {  	s0 =	rddreg [dreg:$0x0];
	s2 =	stileid.u32  }
0xc9: {  	s1 =	rddreg [dreg:$0x1];
	p0 =	sne.s32 s2, $0x0  }
0xca: {  	s3 =	rddreg [dreg:$0x2];
	[bflag:$0x3] =	sbarrier.arrive $0xFFFF;
	s2 =	simm.s32 @!p0 $0x1C03  }
0xcb: {  	[timem:s3], [sflag:s2] =	dma.local @!p0 [hbm:s0], s1  }
0xcc: {  	s0 =	simm.s32 @!p0 $0x3  }
0xcd: {  	_ =	swait.ge @!p0 [sflag:s0], s1  }
0xce: {  	s1 =	ssub.s32 @!p0 $0x0, s1;
	[sflag:s0] =	ssyncset.done @!p0 $0x0  }
0xcf: {  	[sflag:s0] =	ssyncadd.s32 @!p0 s1  }
0xd0: {  	[bflag:$0x3] =	sbarrier.arrive $0xFFFF  }
0xd1: {  	_ =	shalt  }

</sc_bundles>
